<compile_context>
chip_gen: v7x
topology: tpu7x:2x2x1
jax: 0.10.2.dev20260603
libtpu: 0.0.44.dev20260713+nightly
codegen_flags: <defaults>
</compile_context>

<pallas_src>
import functools
import numpy as np
import jax
import jax.numpy as jnp
from jax import lax
from jax.experimental import pallas as pl
from jax.experimental.pallas import tpu as pltpu
from jax.experimental.pallas import tpu_sc as plsc

VOCAB = 100000
LATENT = 64
NUM_EV = 200
WORDS = 50

NC = 2
NS = 16
NW = NC * NS
J_PER = LATENT // NW
NSENT = 216
WINDOWS = tuple(g * 16 for g in range(11)) + (176, 184)


def _sc_embed(tq, te, evT, q, evc_out, evf_out, row_v, ev_v, qv,
              ov0, ov1, ov2, ov3, sem, semo):
    wid = lax.axis_index("s") * NC + lax.axis_index("c")
    zero = jnp.zeros((16,), jnp.float32)
    zero_i = jnp.zeros((16,), jnp.int32)
    inv_w = jnp.float32(1.0 / WORDS)
    inv_l = jnp.float32(1.0 / LATENT)

    passes = ((tq, evc_out, 0, ov0, True), (tq, evc_out, 1, ov1, True),
              (te, evf_out, 0, ov2, False), (te, evf_out, 1, ov3, False))
    cp = pltpu.async_copy(tq.at[wid * J_PER], row_v, sem)
    pltpu.sync_copy(evT, ev_v)
    pltpu.sync_copy(q, qv)

    out_cps = []
    for p, (tbl, out, jo, ov, with_q) in enumerate(passes):
        j = wid * J_PER + jo
        cp.wait()
        jf = jnp.full((16,), j, jnp.float32) * inv_l

        def body(w, accs, jf=jf, with_q=with_q):
            wf = jnp.full((16,), w, jnp.float32) * inv_w
            pe = (1.0 - wf) + jf * (2.0 * wf - 1.0)
            new = []
            for g, base in enumerate(WINDOWS):
                iv = ev_v[w, pl.ds(base, 16)]
                vals = plsc.load_gather(row_v, [iv])
                new.append(accs[g] + vals * pe)
            if with_q:
                qi = plsc.load_gather(qv, [zero_i, jnp.full((16,), w, jnp.int32)])
                qvals = plsc.load_gather(row_v, [qi])
                new.append(accs[-1] + qvals * pe)
            return tuple(new)

        n_acc = len(WINDOWS) + (1 if with_q else 0)
        accs = lax.fori_loop(0, WORDS, body, (zero,) * n_acc)
        if p < 3:
            ntbl, _, njo, _, _ = passes[p + 1]
            cp = pltpu.async_copy(ntbl.at[wid * J_PER + njo], row_v, sem)
        for g, base in enumerate(WINDOWS):
            ov[pl.ds(base, 16)] = accs[g]
        lane = lax.broadcasted_iota(jnp.int32, (16,), 0)
        if with_q:
            ov[pl.ds(200, 16)] = jnp.where(lane == 0, accs[-1], 0.0)
        else:
            ov[pl.ds(200, 16)] = zero
        out_cps.append(pltpu.async_copy(ov, out.at[j], semo))
    for c in out_cps:
        c.wait()


@jax.jit
def _sc_call(tq, te, evT, q):
    mesh = plsc.VectorSubcoreMesh(core_axis_name="c", subcore_axis_name="s",
                                  num_cores=NC, num_subcores=NS)
    f32 = jnp.float32
    return pl.kernel(
        _sc_embed,
        out_type=(
            jax.ShapeDtypeStruct((LATENT, NSENT), f32),
            jax.ShapeDtypeStruct((LATENT, NSENT), f32),
        ),
        mesh=mesh,
        scratch_types=(
            pltpu.VMEM((VOCAB,), f32),
            pltpu.VMEM((WORDS, NUM_EV), jnp.int32),
            pltpu.VMEM((1, WORDS), jnp.int32),
            pltpu.VMEM((NSENT,), f32),
            pltpu.VMEM((NSENT,), f32),
            pltpu.VMEM((NSENT,), f32),
            pltpu.VMEM((NSENT,), f32),
            pltpu.SemaphoreType.DMA,
            pltpu.SemaphoreType.DMA,
        ),
        compiler_params=pltpu.CompilerParams(use_tc_tiling_on_sc=True,
                                             needs_layout_passes=False),
    )(tq, te, evT, q)


BVC = 32768
NBLK = (VOCAB + BVC - 1) // BVC


def _tc_body(evc_ref, evf_ref, t1_ref, t2_ref, fcw_ref, fcb_ref, out_ref,
             logit_s, feat_s, ms_s):
    j = pl.program_id(0)
    dnum_00 = (((0,), (0,)), ((), ()))
    dnum_11 = (((1,), (1,)), ((), ()))

    @pl.when(j == 0)
    def _():
        evc = evc_ref[...]
        evc_e = evc + t2_ref[...]
        evf_e = evf_ref[...] + t1_ref[...]
        lane = lax.broadcasted_iota(jnp.int32, (1, NSENT), 1)
        zf = lax.dot_general(evc, evc_e, dnum_00,
                             preferred_element_type=jnp.float32)
        z = zf[NUM_EV:NUM_EV + 1, :]
        z = jnp.where(lane < NUM_EV, z, -jnp.inf)
        z = z - jnp.max(z)
        e = jnp.exp(z)
        w = e / jnp.sum(e)
        onehot = (lane == NUM_EV).astype(jnp.float32)
        feat_s[...] = (
            lax.dot_general(w, evf_e, dnum_11,
                            preferred_element_type=jnp.float32)
            + lax.dot_general(onehot, evc, dnum_11,
                              preferred_element_type=jnp.float32))
        ms_s[0] = -jnp.inf

    @pl.when(j < NBLK)
    def _():
        f = feat_s[...]
        l = lax.dot_general(f, fcw_ref[...], (((1,), (0,)), ((), ())),
                            preferred_element_type=jnp.float32)
        l = l + fcb_ref[0]
        col = j * BVC + lax.broadcasted_iota(jnp.int32, (1, BVC), 1)
        l = jnp.where(col < VOCAB, l, -1e30)
        logit_s[pl.ds(j, 1), :] = l
        ms_s[0] = jnp.maximum(ms_s[0], jnp.max(l))

    @pl.when(j == NBLK)
    def _():
        e = jnp.exp(logit_s[...] - ms_s[0])
        out_ref[...] = e * (1.0 / jnp.sum(e))


@jax.jit
def _tc_call(evcT, evfT, t1T, t2T, fc_wT, fc_b):
    f32 = jnp.float32
    return pl.pallas_call(
        _tc_body,
        grid=(NBLK + 1,),
        in_specs=[
            pl.BlockSpec((LATENT, NSENT), lambda j: (0, 0)),
            pl.BlockSpec((LATENT, NSENT), lambda j: (0, 0)),
            pl.BlockSpec((LATENT, NSENT), lambda j: (0, 0)),
            pl.BlockSpec((LATENT, NSENT), lambda j: (0, 0)),
            pl.BlockSpec((LATENT, BVC),
                         lambda j: (0, jnp.minimum(j, NBLK - 1))),
            pl.BlockSpec((1, 1, BVC),
                         lambda j: (jnp.minimum(j, NBLK - 1), 0, 0)),
        ],
        out_specs=pl.BlockSpec((NBLK, BVC), lambda j: (0, 0)),
        out_shape=jax.ShapeDtypeStruct((NBLK, BVC), f32),
        scratch_shapes=[
            pltpu.VMEM((NBLK, BVC), f32),
            pltpu.VMEM((1, LATENT), f32),
            pltpu.SMEM((2,), f32),
        ],
        compiler_params=pltpu.CompilerParams(
            dimension_semantics=("arbitrary",),
        ),
    )(evcT, evfT, t1T, t2T, fc_wT, fc_b)


def kernel(evidence, question, question_table, evidence_table,
           temporal_enc1, temporal_enc2, fc_w, fc_b):
    ev_T = evidence.astype(jnp.int32).T
    q_i = question.astype(jnp.int32)

    t1p = jnp.pad(temporal_enc1.T, ((0, 0), (0, NSENT - NUM_EV)))
    t2p = jnp.pad(temporal_enc2.T, ((0, 0), (0, NSENT - NUM_EV)))
    fcb2 = jnp.pad(fc_b, (0, NBLK * BVC - VOCAB),
                   constant_values=-1e30).reshape(NBLK, 1, BVC)

    evcT, evfT = _sc_call(question_table.T, evidence_table.T, ev_T, q_i)
    probs2 = _tc_call(evcT, evfT, t1p, t2p, fc_w.T, fcb2)
    return probs2.reshape(-1)[:VOCAB]

# --- scband reference (transcript-rebuilt; emitter-appended) ---
"""Pipeline reference for scband-vqa-memnet-90718299226806 (READ-ONLY COPY).

The authoritative reference and input builder live on the scoring server;
editing this copy changes nothing except your own understanding.
"""

import jax, jax.numpy as jnp
import numpy as np

VOCAB = 100000
LATENT = 64
NUM_EV = 200
WORDS = 50


def get_position_encoding(words_in_sentence, text_latent_size):
    i = np.arange(words_in_sentence, dtype=np.float32)[:, None]
    j = np.arange(text_latent_size, dtype=np.float32)[None, :]
    enc = 1.0 - i / words_in_sentence - (j / text_latent_size) * (1.0 - 2.0 * i / words_in_sentence)
    return jnp.asarray(enc, dtype=jnp.float32)[None, :, :]  # [1, W, L]


def setup_inputs(seed: int = 0) -> dict:
    key = jax.random.key(seed)
    ks = jax.random.split(key, 8)
    evidence = jax.random.randint(ks[0], (NUM_EV, WORDS), 0, VOCAB)
    question = jax.random.randint(ks[1], (1, WORDS), 0, VOCAB)
    question_table = jax.random.normal(ks[2], (VOCAB, LATENT), dtype=jnp.float32)
    evidence_table = jax.random.normal(ks[3], (VOCAB, LATENT), dtype=jnp.float32)
    temporal_enc1 = jax.random.normal(ks[4], (NUM_EV, LATENT), dtype=jnp.float32)
    temporal_enc2 = jax.random.normal(ks[5], (NUM_EV, LATENT), dtype=jnp.float32)
    fc_w = jax.random.normal(ks[6], (VOCAB, LATENT), dtype=jnp.float32) * 0.02
    fc_b = jax.random.normal(ks[7], (VOCAB,), dtype=jnp.float32) * 0.02
    return {
        "evidence": evidence,
        "question": question,
        "question_table": question_table,
        "evidence_table": evidence_table,
        "temporal_enc1": temporal_enc1,
        "temporal_enc2": temporal_enc2,
        "fc_w": fc_w,
        "fc_b": fc_b,
    }


def reference(evidence, question, question_table, evidence_table, temporal_enc1, temporal_enc2, fc_w, fc_b):
    pe = get_position_encoding(WORDS, LATENT)  # [1, W, L]

    # embed_question: lookup, position-weight, sum over words -> [1, L]
    q_emb = jnp.take(question_table, question, axis=0) * pe  # [1, W, L]
    q = jnp.sum(q_emb, axis=1)  # [1, L]

    # embed_evidence: two lookups, position-weight, sum over words -> [E, L]
    ev_comp = jnp.sum(jnp.take(question_table, evidence, axis=0) * pe, axis=1)  # [E, L]
    ev_feat = jnp.sum(jnp.take(evidence_table, evidence, axis=0) * pe, axis=1)  # [E, L]

    ev_feat = ev_feat + temporal_enc1
    ev_comp = ev_comp + temporal_enc2

    # compute_evidence_weights
    z = ev_comp @ q.T          # [E, 1]
    z = z.reshape(1, -1)        # [1, E]
    weights = jax.nn.softmax(z, axis=1)  # [1, E]

    # mean_pool
    weighted = jnp.sum(weights.reshape(-1, 1) * ev_feat, axis=0)  # [L]

    features = weighted + q[0]  # [L]

    # final_prediction
    logits = features @ fc_w.T + fc_b  # [VOCAB]
    return jax.nn.softmax(logits, axis=-1)

if __name__ == "__main__":
    import jax
    _d = setup_inputs()
    print(jax.jit(kernel)(*tuple(_d.values())))

</pallas_src>

<mosaic_0001>
#map = affine_map<(d0, d1) -> (0, 0)>
module attributes {stable_mosaic.version = 14 : i64} {
  func.func @_sc_embed(%arg0: i32, %arg1: i32, %arg2: memref<64x100000xf32, #tpu.memory_space<hbm>>, %arg3: memref<64x100000xf32, #tpu.memory_space<hbm>>, %arg4: memref<50x200xi32, #tpu.memory_space<hbm>>, %arg5: memref<1x50xi32, #tpu.memory_space<hbm>>, %arg6: memref<64x216xf32, #tpu.memory_space<hbm>>, %arg7: memref<64x216xf32, #tpu.memory_space<hbm>>, %arg8: memref<100000xf32, #tpu.memory_space<vmem>>, %arg9: memref<50x200xi32, #tpu.memory_space<vmem>>, %arg10: memref<1x50xi32, #tpu.memory_space<vmem>>, %arg11: memref<216xf32, #tpu.memory_space<vmem>>, %arg12: memref<216xf32, #tpu.memory_space<vmem>>, %arg13: memref<216xf32, #tpu.memory_space<vmem>>, %arg14: memref<216xf32, #tpu.memory_space<vmem>>, %arg15: memref<!tpu.dma_semaphore, #tpu.memory_space<semaphore_mem>>, %arg16: memref<!tpu.dma_semaphore, #tpu.memory_space<semaphore_mem>>) attributes {dimension_semantics = [#tpu.dimension_semantics<core_parallel>, #tpu.dimension_semantics<subcore_parallel>], iteration_bounds = array<i64: 2, 16>, scalar_prefetch = 0 : i64, scratch_operands = 9 : i64, tpu.core_type = #tpu.core_type<sc_vector_subcore>, window_params = [{transform_indices = #map}, {transform_indices = #map}, {transform_indices = #map}, {transform_indices = #map}, {transform_indices = #map}, {transform_indices = #map}]} {
    %mul3A = arith.constant 2 : i32
    %mul3A_0 = arith.muli %arg1, %mul3A : i32
    %add3A = arith.addi %mul3A_0, %arg0 : i32
    %broadcast_in_dim3A = arith.constant 0.000000e+00 : f32
    %broadcast_in_dim3A_1 = vector.broadcast %broadcast_in_dim3A : f32 to vector<16xf32>
    %broadcast_in_dim3A_2 = arith.constant 0 : i32
    %broadcast_in_dim3A_3 = vector.broadcast %broadcast_in_dim3A_2 : i32 to vector<16xi32>
    %mul3A_4 = arith.constant 2 : i32
    %mul3A_5 = arith.muli %add3A, %mul3A_4 : i32
    %dma_start3A = arith.constant 0 : i32
    %dma_start3A_6 = tpu.memref_slice %arg2[%mul3A_5, %dma_start3A] : memref<64x100000xf32, #tpu.memory_space<hbm>> -> memref<1x100000xf32, #tpu.memory_space<hbm>>
    %dma_start3A_7 = tpu.memref_squeeze %dma_start3A_6 : memref<1x100000xf32, #tpu.memory_space<hbm>> -> memref<100000xf32, #tpu.memory_space<hbm>>
    %dma_start3A_8 = arith.constant 0 : i32
    %dma_start3A_9 = tpu.memref_slice %arg2[%mul3A_5, %dma_start3A_8] : memref<64x100000xf32, #tpu.memory_space<hbm>> -> memref<1x100000xf32, #tpu.memory_space<hbm>>
    %dma_start3A_10 = tpu.memref_squeeze %dma_start3A_9 : memref<1x100000xf32, #tpu.memory_space<hbm>> -> memref<100000xf32, #tpu.memory_space<hbm>>
    tpu.enqueue_dma source(%dma_start3A_10 : memref<100000xf32, #tpu.memory_space<hbm>>) target(%arg8 : memref<100000xf32, #tpu.memory_space<vmem>>) target_semaphore(%arg15 : memref<!tpu.dma_semaphore, #tpu.memory_space<semaphore_mem>>)
    "tpu.region"() ({
      %run_scoped3A = tpu.sem_alloc : memref<!tpu.dma_semaphore, #tpu.memory_space<semaphore_mem>>
      tpu.enqueue_dma source(%arg4 : memref<50x200xi32, #tpu.memory_space<hbm>>) target(%arg9 : memref<50x200xi32, #tpu.memory_space<vmem>>) target_semaphore(%run_scoped3A : memref<!tpu.dma_semaphore, #tpu.memory_space<semaphore_mem>>)
      tpu.wait_dma2 semaphore(%run_scoped3A : memref<!tpu.dma_semaphore, #tpu.memory_space<semaphore_mem>>) src(%arg4 : memref<50x200xi32, #tpu.memory_space<hbm>>) dst(%arg9 : memref<50x200xi32, #tpu.memory_space<vmem>>)
      tpu.yield
    }) : () -> ()
    "tpu.region"() ({
      %run_scoped3A = tpu.sem_alloc : memref<!tpu.dma_semaphore, #tpu.memory_space<semaphore_mem>>
      tpu.enqueue_dma source(%arg5 : memref<1x50xi32, #tpu.memory_space<hbm>>) target(%arg10 : memref<1x50xi32, #tpu.memory_space<vmem>>) target_semaphore(%run_scoped3A : memref<!tpu.dma_semaphore, #tpu.memory_space<semaphore_mem>>)
      tpu.wait_dma2 semaphore(%run_scoped3A : memref<!tpu.dma_semaphore, #tpu.memory_space<semaphore_mem>>) src(%arg5 : memref<1x50xi32, #tpu.memory_space<hbm>>) dst(%arg10 : memref<1x50xi32, #tpu.memory_space<vmem>>)
      tpu.yield
    }) : () -> ()
    %mul3A_11 = arith.constant 2 : i32
    %mul3A_12 = arith.muli %add3A, %mul3A_11 : i32
    %add3A_13 = arith.constant 0 : i32
    %add3A_14 = arith.addi %mul3A_12, %add3A_13 : i32
    %dma_wait3A = arith.constant 0 : i32
    %dma_wait3A_15 = tpu.memref_slice %arg2[%mul3A_5, %dma_wait3A] : memref<64x100000xf32, #tpu.memory_space<hbm>> -> memref<1x100000xf32, #tpu.memory_space<hbm>>
    %dma_wait3A_16 = tpu.memref_squeeze %dma_wait3A_15 : memref<1x100000xf32, #tpu.memory_space<hbm>> -> memref<100000xf32, #tpu.memory_space<hbm>>
    %dma_wait3A_17 = arith.constant 0 : i32
    %dma_wait3A_18 = tpu.memref_slice %arg2[%mul3A_5, %dma_wait3A_17] : memref<64x100000xf32, #tpu.memory_space<hbm>> -> memref<1x100000xf32, #tpu.memory_space<hbm>>
    %dma_wait3A_19 = tpu.memref_squeeze %dma_wait3A_18 : memref<1x100000xf32, #tpu.memory_space<hbm>> -> memref<100000xf32, #tpu.memory_space<hbm>>
    tpu.wait_dma2 semaphore(%arg15 : memref<!tpu.dma_semaphore, #tpu.memory_space<semaphore_mem>>) src(%dma_wait3A_19 : memref<100000xf32, #tpu.memory_space<hbm>>) dst(%arg8 : memref<100000xf32, #tpu.memory_space<vmem>>)
    %convert_element_type3A = arith.sitofp %add3A_14 : i32 to f32
    %broadcast_in_dim3A_20 = vector.broadcast %convert_element_type3A : f32 to vector<16xf32>
    %mul3A_21 = arith.constant 1.562500e-02 : f32
    %mul3A_22 = vector.broadcast %mul3A_21 : f32 to vector<16xf32>
    %mul3A_23 = arith.mulf %broadcast_in_dim3A_20, %mul3A_22 : vector<16xf32>
    %scan3A = arith.constant 2.000000e-02 : f32
    %scan3A_24 = arith.constant 0 : i32
    %scan3A_25 = arith.constant 50 : i32
    %scan3A_26 = arith.addi %scan3A_24, %scan3A_25 : i32
    %scan3A_27 = arith.constant 1 : i32
    %scan3A_28:14 = scf.for %scan3A_297 = %scan3A_24 to %scan3A_26 step %scan3A_27 iter_args(%scan3A_298 = %broadcast_in_dim3A_1, %scan3A_299 = %broadcast_in_dim3A_1, %scan3A_300 = %broadcast_in_dim3A_1, %scan3A_301 = %broadcast_in_dim3A_1, %scan3A_302 = %broadcast_in_dim3A_1, %scan3A_303 = %broadcast_in_dim3A_1, %scan3A_304 = %broadcast_in_dim3A_1, %scan3A_305 = %broadcast_in_dim3A_1, %scan3A_306 = %broadcast_in_dim3A_1, %scan3A_307 = %broadcast_in_dim3A_1, %scan3A_308 = %broadcast_in_dim3A_1, %scan3A_309 = %broadcast_in_dim3A_1, %scan3A_310 = %broadcast_in_dim3A_1, %scan3A_311 = %broadcast_in_dim3A_1) -> (vector<16xf32>, vector<16xf32>, vector<16xf32>, vector<16xf32>, vector<16xf32>, vector<16xf32>, vector<16xf32>, vector<16xf32>, vector<16xf32>, vector<16xf32>, vector<16xf32>, vector<16xf32>, vector<16xf32>, vector<16xf32>)  : i32 {
      %convert_element_type3A_312 = arith.sitofp %scan3A_297 : i32 to f32
      %broadcast_in_dim3A_313 = vector.broadcast %convert_element_type3A_312 : f32 to vector<16xf32>
      %mul3A_314 = vector.broadcast %scan3A : f32 to vector<16xf32>
      %mul3A_315 = arith.mulf %broadcast_in_dim3A_313, %mul3A_314 : vector<16xf32>
      %sub3A = arith.constant 1.000000e+00 : f32
      %sub3A_316 = vector.broadcast %sub3A : f32 to vector<16xf32>
      %sub3A_317 = arith.subf %sub3A_316, %mul3A_315 : vector<16xf32>
      %mul3A_318 = arith.constant 2.000000e+00 : f32
      %mul3A_319 = vector.broadcast %mul3A_318 : f32 to vector<16xf32>
      %mul3A_320 = arith.mulf %mul3A_319, %mul3A_315 : vector<16xf32>
      %sub3A_321 = arith.constant 1.000000e+00 : f32
      %sub3A_322 = vector.broadcast %sub3A_321 : f32 to vector<16xf32>
      %sub3A_323 = arith.subf %mul3A_320, %sub3A_322 : vector<16xf32>
      %mul3A_324 = arith.mulf %mul3A_23, %sub3A_323 : vector<16xf32>
      %add3A_325 = arith.addf %sub3A_317, %mul3A_324 : vector<16xf32>
      %get3A = arith.index_cast %scan3A_297 : i32 to index
      %get3A_326 = arith.constant 0 : index
      %get3A_327 = tpu.vector_load %arg9[%get3A, %get3A_326] {strides = array<i32>} : memref<50x200xi32, #tpu.memory_space<vmem>>, vector<16xi32>,
      %gather3A = tpu.vector_load_idx %arg8[%get3A_327] : memref<100000xf32, #tpu.memory_space<vmem>>[vector<16xi32>], vector<16xf32>,
      %mul3A_328 = arith.mulf %gather3A, %add3A_325 : vector<16xf32>
      %add3A_329 = arith.addf %scan3A_298, %mul3A_328 : vector<16xf32>
      %get3A_330 = arith.index_cast %scan3A_297 : i32 to index
      %get3A_331 = arith.constant 16 : index
      %get3A_332 = tpu.vector_load %arg9[%get3A_330, %get3A_331] {strides = array<i32>} : memref<50x200xi32, #tpu.memory_space<vmem>>, vector<16xi32>,
      %gather3A_333 = tpu.vector_load_idx %arg8[%get3A_332] : memref<100000xf32, #tpu.memory_space<vmem>>[vector<16xi32>], vector<16xf32>,
      %mul3A_334 = arith.mulf %gather3A_333, %add3A_325 : vector<16xf32>
      %add3A_335 = arith.addf %scan3A_299, %mul3A_334 : vector<16xf32>
      %get3A_336 = arith.index_cast %scan3A_297 : i32 to index
      %get3A_337 = arith.constant 32 : index
      %get3A_338 = tpu.vector_load %arg9[%get3A_336, %get3A_337] {strides = array<i32>} : memref<50x200xi32, #tpu.memory_space<vmem>>, vector<16xi32>,
      %gather3A_339 = tpu.vector_load_idx %arg8[%get3A_338] : memref<100000xf32, #tpu.memory_space<vmem>>[vector<16xi32>], vector<16xf32>,
      %mul3A_340 = arith.mulf %gather3A_339, %add3A_325 : vector<16xf32>
      %add3A_341 = arith.addf %scan3A_300, %mul3A_340 : vector<16xf32>
      %get3A_342 = arith.index_cast %scan3A_297 : i32 to index
      %get3A_343 = arith.constant 48 : index
      %get3A_344 = tpu.vector_load %arg9[%get3A_342, %get3A_343] {strides = array<i32>} : memref<50x200xi32, #tpu.memory_space<vmem>>, vector<16xi32>,
      %gather3A_345 = tpu.vector_load_idx %arg8[%get3A_344] : memref<100000xf32, #tpu.memory_space<vmem>>[vector<16xi32>], vector<16xf32>,
      %mul3A_346 = arith.mulf %gather3A_345, %add3A_325 : vector<16xf32>
      %add3A_347 = arith.addf %scan3A_301, %mul3A_346 : vector<16xf32>
      %get3A_348 = arith.index_cast %scan3A_297 : i32 to index
      %get3A_349 = arith.constant 64 : index
      %get3A_350 = tpu.vector_load %arg9[%get3A_348, %get3A_349] {strides = array<i32>} : memref<50x200xi32, #tpu.memory_space<vmem>>, vector<16xi32>,
      %gather3A_351 = tpu.vector_load_idx %arg8[%get3A_350] : memref<100000xf32, #tpu.memory_space<vmem>>[vector<16xi32>], vector<16xf32>,
      %mul3A_352 = arith.mulf %gather3A_351, %add3A_325 : vector<16xf32>
      %add3A_353 = arith.addf %scan3A_302, %mul3A_352 : vector<16xf32>
      %get3A_354 = arith.index_cast %scan3A_297 : i32 to index
      %get3A_355 = arith.constant 80 : index
      %get3A_356 = tpu.vector_load %arg9[%get3A_354, %get3A_355] {strides = array<i32>} : memref<50x200xi32, #tpu.memory_space<vmem>>, vector<16xi32>,
      %gather3A_357 = tpu.vector_load_idx %arg8[%get3A_356] : memref<100000xf32, #tpu.memory_space<vmem>>[vector<16xi32>], vector<16xf32>,
      %mul3A_358 = arith.mulf %gather3A_357, %add3A_325 : vector<16xf32>
      %add3A_359 = arith.addf %scan3A_303, %mul3A_358 : vector<16xf32>
      %get3A_360 = arith.index_cast %scan3A_297 : i32 to index
      %get3A_361 = arith.constant 96 : index
      %get3A_362 = tpu.vector_load %arg9[%get3A_360, %get3A_361] {strides = array<i32>} : memref<50x200xi32, #tpu.memory_space<vmem>>, vector<16xi32>,
      %gather3A_363 = tpu.vector_load_idx %arg8[%get3A_362] : memref<100000xf32, #tpu.memory_space<vmem>>[vector<16xi32>], vector<16xf32>,
      %mul3A_364 = arith.mulf %gather3A_363, %add3A_325 : vector<16xf32>
      %add3A_365 = arith.addf %scan3A_304, %mul3A_364 : vector<16xf32>
      %get3A_366 = arith.index_cast %scan3A_297 : i32 to index
      %get3A_367 = arith.constant 112 : index
      %get3A_368 = tpu.vector_load %arg9[%get3A_366, %get3A_367] {strides = array<i32>} : memref<50x200xi32, #tpu.memory_space<vmem>>, vector<16xi32>,
      %gather3A_369 = tpu.vector_load_idx %arg8[%get3A_368] : memref<100000xf32, #tpu.memory_space<vmem>>[vector<16xi32>], vector<16xf32>,
      %mul3A_370 = arith.mulf %gather3A_369, %add3A_325 : vector<16xf32>
      %add3A_371 = arith.addf %scan3A_305, %mul3A_370 : vector<16xf32>
      %get3A_372 = arith.index_cast %scan3A_297 : i32 to index
      %get3A_373 = arith.constant 128 : index
      %get3A_374 = tpu.vector_load %arg9[%get3A_372, %get3A_373] {strides = array<i32>} : memref<50x200xi32, #tpu.memory_space<vmem>>, vector<16xi32>,
      %gather3A_375 = tpu.vector_load_idx %arg8[%get3A_374] : memref<100000xf32, #tpu.memory_space<vmem>>[vector<16xi32>], vector<16xf32>,
      %mul3A_376 = arith.mulf %gather3A_375, %add3A_325 : vector<16xf32>
      %add3A_377 = arith.addf %scan3A_306, %mul3A_376 : vector<16xf32>
      %get3A_378 = arith.index_cast %scan3A_297 : i32 to index
      %get3A_379 = arith.constant 144 : index
      %get3A_380 = tpu.vector_load %arg9[%get3A_378, %get3A_379] {strides = array<i32>} : memref<50x200xi32, #tpu.memory_space<vmem>>, vector<16xi32>,
      %gather3A_381 = tpu.vector_load_idx %arg8[%get3A_380] : memref<100000xf32, #tpu.memory_space<vmem>>[vector<16xi32>], vector<16xf32>,
      %mul3A_382 = arith.mulf %gather3A_381, %add3A_325 : vector<16xf32>
      %add3A_383 = arith.addf %scan3A_307, %mul3A_382 : vector<16xf32>
      %get3A_384 = arith.index_cast %scan3A_297 : i32 to index
      %get3A_385 = arith.constant 160 : index
      %get3A_386 = tpu.vector_load %arg9[%get3A_384, %get3A_385] {strides = array<i32>} : memref<50x200xi32, #tpu.memory_space<vmem>>, vector<16xi32>,
      %gather3A_387 = tpu.vector_load_idx %arg8[%get3A_386] : memref<100000xf32, #tpu.memory_space<vmem>>[vector<16xi32>], vector<16xf32>,
      %mul3A_388 = arith.mulf %gather3A_387, %add3A_325 : vector<16xf32>
      %add3A_389 = arith.addf %scan3A_308, %mul3A_388 : vector<16xf32>
      %get3A_390 = arith.index_cast %scan3A_297 : i32 to index
      %get3A_391 = arith.constant 176 : index
      %get3A_392 = tpu.vector_load %arg9[%get3A_390, %get3A_391] {strides = array<i32>} : memref<50x200xi32, #tpu.memory_space<vmem>>, vector<16xi32>,
      %gather3A_393 = tpu.vector_load_idx %arg8[%get3A_392] : memref<100000xf32, #tpu.memory_space<vmem>>[vector<16xi32>], vector<16xf32>,
      %mul3A_394 = arith.mulf %gather3A_393, %add3A_325 : vector<16xf32>
      %add3A_395 = arith.addf %scan3A_309, %mul3A_394 : vector<16xf32>
      %get3A_396 = arith.index_cast %scan3A_297 : i32 to index
      %get3A_397 = arith.constant 184 : index
      %get3A_398 = tpu.vector_load %arg9[%get3A_396, %get3A_397] {strides = array<i32>} : memref<50x200xi32, #tpu.memory_space<vmem>>, vector<16xi32>,
      %gather3A_399 = tpu.vector_load_idx %arg8[%get3A_398] : memref<100000xf32, #tpu.memory_space<vmem>>[vector<16xi32>], vector<16xf32>,
      %mul3A_400 = arith.mulf %gather3A_399, %add3A_325 : vector<16xf32>
      %add3A_401 = arith.addf %scan3A_310, %mul3A_400 : vector<16xf32>
      %broadcast_in_dim3A_402 = vector.broadcast %scan3A_297 : i32 to vector<16xi32>
      %gather3A_403 = tpu.vector_load_idx %arg10[%broadcast_in_dim3A_3, %broadcast_in_dim3A_402] : memref<1x50xi32, #tpu.memory_space<vmem>>[vector<16xi32>, vector<16xi32>], vector<16xi32>,
      %gather3A_404 = tpu.vector_load_idx %arg8[%gather3A_403] : memref<100000xf32, #tpu.memory_space<vmem>>[vector<16xi32>], vector<16xf32>,
      %mul3A_405 = arith.mulf %gather3A_404, %add3A_325 : vector<16xf32>
      %add3A_406 = arith.addf %scan3A_311, %mul3A_405 : vector<16xf32>
      scf.yield %add3A_329, %add3A_335, %add3A_341, %add3A_347, %add3A_353, %add3A_359, %add3A_365, %add3A_371, %add3A_377, %add3A_383, %add3A_389, %add3A_395, %add3A_401, %add3A_406 : vector<16xf32>, vector<16xf32>, vector<16xf32>, vector<16xf32>, vector<16xf32>, vector<16xf32>, vector<16xf32>, vector<16xf32>, vector<16xf32>, vector<16xf32>, vector<16xf32>, vector<16xf32>, vector<16xf32>, vector<16xf32>
    }
    %scan3A_29 = arith.constant 50 : i32
    %mul3A_30 = arith.constant 2 : i32
    %mul3A_31 = arith.muli %add3A, %mul3A_30 : i32
    %add3A_32 = arith.constant 1 : i32
    %add3A_33 = arith.addi %mul3A_31, %add3A_32 : i32
    %dma_start3A_34 = arith.constant 0 : i32
    %dma_start3A_35 = tpu.memref_slice %arg2[%add3A_33, %dma_start3A_34] : memref<64x100000xf32, #tpu.memory_space<hbm>> -> memref<1x100000xf32, #tpu.memory_space<hbm>>
    %dma_start3A_36 = tpu.memref_squeeze %dma_start3A_35 : memref<1x100000xf32, #tpu.memory_space<hbm>> -> memref<100000xf32, #tpu.memory_space<hbm>>
    %dma_start3A_37 = arith.constant 0 : i32
    %dma_start3A_38 = tpu.memref_slice %arg2[%add3A_33, %dma_start3A_37] : memref<64x100000xf32, #tpu.memory_space<hbm>> -> memref<1x100000xf32, #tpu.memory_space<hbm>>
    %dma_start3A_39 = tpu.memref_squeeze %dma_start3A_38 : memref<1x100000xf32, #tpu.memory_space<hbm>> -> memref<100000xf32, #tpu.memory_space<hbm>>
    tpu.enqueue_dma source(%dma_start3A_39 : memref<100000xf32, #tpu.memory_space<hbm>>) target(%arg8 : memref<100000xf32, #tpu.memory_space<vmem>>) target_semaphore(%arg15 : memref<!tpu.dma_semaphore, #tpu.memory_space<semaphore_mem>>)
    %swap3A = arith.constant 0 : index
    %swap3A_40 = tpu.vector_load %arg11[%swap3A] {strides = array<i32>} : memref<216xf32, #tpu.memory_space<vmem>>, vector<16xf32>,
    tpu.vector_store %arg11[%swap3A], %scan3A_28#0 {strides = array<i32>} : memref<216xf32, #tpu.memory_space<vmem>>, vector<16xf32>,
    %swap3A_41 = arith.constant 16 : index
    %swap3A_42 = tpu.vector_load %arg11[%swap3A_41] {strides = array<i32>} : memref<216xf32, #tpu.memory_space<vmem>>, vector<16xf32>,
    tpu.vector_store %arg11[%swap3A_41], %scan3A_28#1 {strides = array<i32>} : memref<216xf32, #tpu.memory_space<vmem>>, vector<16xf32>,
    %swap3A_43 = arith.constant 32 : index
    %swap3A_44 = tpu.vector_load %arg11[%swap3A_43] {strides = array<i32>} : memref<216xf32, #tpu.memory_space<vmem>>, vector<16xf32>,
    tpu.vector_store %arg11[%swap3A_43], %scan3A_28#2 {strides = array<i32>} : memref<216xf32, #tpu.memory_space<vmem>>, vector<16xf32>,
    %swap3A_45 = arith.constant 48 : index
    %swap3A_46 = tpu.vector_load %arg11[%swap3A_45] {strides = array<i32>} : memref<216xf32, #tpu.memory_space<vmem>>, vector<16xf32>,
    tpu.vector_store %arg11[%swap3A_45], %scan3A_28#3 {strides = array<i32>} : memref<216xf32, #tpu.memory_space<vmem>>, vector<16xf32>,
    %swap3A_47 = arith.constant 64 : index
    %swap3A_48 = tpu.vector_load %arg11[%swap3A_47] {strides = array<i32>} : memref<216xf32, #tpu.memory_space<vmem>>, vector<16xf32>,
    tpu.vector_store %arg11[%swap3A_47], %scan3A_28#4 {strides = array<i32>} : memref<216xf32, #tpu.memory_space<vmem>>, vector<16xf32>,
    %swap3A_49 = arith.constant 80 : index
    %swap3A_50 = tpu.vector_load %arg11[%swap3A_49] {strides = array<i32>} : memref<216xf32, #tpu.memory_space<vmem>>, vector<16xf32>,
    tpu.vector_store %arg11[%swap3A_49], %scan3A_28#5 {strides = array<i32>} : memref<216xf32, #tpu.memory_space<vmem>>, vector<16xf32>,
    %swap3A_51 = arith.constant 96 : index
    %swap3A_52 = tpu.vector_load %arg11[%swap3A_51] {strides = array<i32>} : memref<216xf32, #tpu.memory_space<vmem>>, vector<16xf32>,
    tpu.vector_store %arg11[%swap3A_51], %scan3A_28#6 {strides = array<i32>} : memref<216xf32, #tpu.memory_space<vmem>>, vector<16xf32>,
    %swap3A_53 = arith.constant 112 : index
    %swap3A_54 = tpu.vector_load %arg11[%swap3A_53] {strides = array<i32>} : memref<216xf32, #tpu.memory_space<vmem>>, vector<16xf32>,
    tpu.vector_store %arg11[%swap3A_53], %scan3A_28#7 {strides = array<i32>} : memref<216xf32, #tpu.memory_space<vmem>>, vector<16xf32>,
    %swap3A_55 = arith.constant 128 : index
    %swap3A_56 = tpu.vector_load %arg11[%swap3A_55] {strides = array<i32>} : memref<216xf32, #tpu.memory_space<vmem>>, vector<16xf32>,
    tpu.vector_store %arg11[%swap3A_55], %scan3A_28#8 {strides = array<i32>} : memref<216xf32, #tpu.memory_space<vmem>>, vector<16xf32>,
    %swap3A_57 = arith.constant 144 : index
    %swap3A_58 = tpu.vector_load %arg11[%swap3A_57] {strides = array<i32>} : memref<216xf32, #tpu.memory_space<vmem>>, vector<16xf32>,
    tpu.vector_store %arg11[%swap3A_57], %scan3A_28#9 {strides = array<i32>} : memref<216xf32, #tpu.memory_space<vmem>>, vector<16xf32>,
    %swap3A_59 = arith.constant 160 : index
    %swap3A_60 = tpu.vector_load %arg11[%swap3A_59] {strides = array<i32>} : memref<216xf32, #tpu.memory_space<vmem>>, vector<16xf32>,
    tpu.vector_store %arg11[%swap3A_59], %scan3A_28#10 {strides = array<i32>} : memref<216xf32, #tpu.memory_space<vmem>>, vector<16xf32>,
    %swap3A_61 = arith.constant 176 : index
    %swap3A_62 = tpu.vector_load %arg11[%swap3A_61] {strides = array<i32>} : memref<216xf32, #tpu.memory_space<vmem>>, vector<16xf32>,
    tpu.vector_store %arg11[%swap3A_61], %scan3A_28#11 {strides = array<i32>} : memref<216xf32, #tpu.memory_space<vmem>>, vector<16xf32>,
    %swap3A_63 = arith.constant 184 : index
    %swap3A_64 = tpu.vector_load %arg11[%swap3A_63] {strides = array<i32>} : memref<216xf32, #tpu.memory_space<vmem>>, vector<16xf32>,
    tpu.vector_store %arg11[%swap3A_63], %scan3A_28#12 {strides = array<i32>} : memref<216xf32, #tpu.memory_space<vmem>>, vector<16xf32>,
    %iota3A = tpu.iota {dimensions = array<i32: 0>} : vector<16xi32>
    %eq3A = arith.constant 0 : i32
    %eq3A_65 = vector.broadcast %eq3A : i32 to vector<16xi32>
    %eq3A_66 = arith.cmpi eq, %iota3A, %eq3A_65 : vector<16xi32>
    %jit3A = arith.constant 0.000000e+00 : f32
    %broadcast_in_dim3A_67 = vector.broadcast %jit3A : f32 to vector<16xf32>
    %select_n3A = arith.select %eq3A_66, %scan3A_28#13, %broadcast_in_dim3A_67 : vector<16xi1>, vector<16xf32>
    %swap3A_68 = arith.constant 200 : index
    %swap3A_69 = tpu.vector_load %arg11[%swap3A_68] {strides = array<i32>} : memref<216xf32, #tpu.memory_space<vmem>>, vector<16xf32>,
    tpu.vector_store %arg11[%swap3A_68], %select_n3A {strides = array<i32>} : memref<216xf32, #tpu.memory_space<vmem>>, vector<16xf32>,
    %dma_start3A_70 = arith.constant 0 : i32
    %dma_start3A_71 = tpu.memref_slice %arg6[%add3A_14, %dma_start3A_70] : memref<64x216xf32, #tpu.memory_space<hbm>> -> memref<1x216xf32, #tpu.memory_space<hbm>>
    %dma_start3A_72 = tpu.memref_squeeze %dma_start3A_71 : memref<1x216xf32, #tpu.memory_space<hbm>> -> memref<216xf32, #tpu.memory_space<hbm>>
    %dma_start3A_73 = arith.constant 0 : i32
    %dma_start3A_74 = tpu.memref_slice %arg6[%add3A_14, %dma_start3A_73] : memref<64x216xf32, #tpu.memory_space<hbm>> -> memref<1x216xf32, #tpu.memory_space<hbm>>
    %dma_start3A_75 = tpu.memref_squeeze %dma_start3A_74 : memref<1x216xf32, #tpu.memory_space<hbm>> -> memref<216xf32, #tpu.memory_space<hbm>>
    tpu.enqueue_dma source(%arg11 : memref<216xf32, #tpu.memory_space<vmem>>) target(%dma_start3A_75 : memref<216xf32, #tpu.memory_space<hbm>>) target_semaphore(%arg16 : memref<!tpu.dma_semaphore, #tpu.memory_space<semaphore_mem>>)
    %mul3A_76 = arith.constant 2 : i32
    %mul3A_77 = arith.muli %add3A, %mul3A_76 : i32
    %add3A_78 = arith.constant 1 : i32
    %add3A_79 = arith.addi %mul3A_77, %add3A_78 : i32
    %dma_wait3A_80 = arith.constant 0 : i32
    %dma_wait3A_81 = tpu.memref_slice %arg2[%add3A_33, %dma_wait3A_80] : memref<64x100000xf32, #tpu.memory_space<hbm>> -> memref<1x100000xf32, #tpu.memory_space<hbm>>
    %dma_wait3A_82 = tpu.memref_squeeze %dma_wait3A_81 : memref<1x100000xf32, #tpu.memory_space<hbm>> -> memref<100000xf32, #tpu.memory_space<hbm>>
    %dma_wait3A_83 = arith.constant 0 : i32
    %dma_wait3A_84 = tpu.memref_slice %arg2[%add3A_33, %dma_wait3A_83] : memref<64x100000xf32, #tpu.memory_space<hbm>> -> memref<1x100000xf32, #tpu.memory_space<hbm>>
    %dma_wait3A_85 = tpu.memref_squeeze %dma_wait3A_84 : memref<1x100000xf32, #tpu.memory_space<hbm>> -> memref<100000xf32, #tpu.memory_space<hbm>>
    tpu.wait_dma2 semaphore(%arg15 : memref<!tpu.dma_semaphore, #tpu.memory_space<semaphore_mem>>) src(%dma_wait3A_85 : memref<100000xf32, #tpu.memory_space<hbm>>) dst(%arg8 : memref<100000xf32, #tpu.memory_space<vmem>>)
    %convert_element_type3A_86 = arith.sitofp %add3A_79 : i32 to f32
    %broadcast_in_dim3A_87 = vector.broadcast %convert_element_type3A_86 : f32 to vector<16xf32>
    %mul3A_88 = arith.constant 1.562500e-02 : f32
    %mul3A_89 = vector.broadcast %mul3A_88 : f32 to vector<16xf32>
    %mul3A_90 = arith.mulf %broadcast_in_dim3A_87, %mul3A_89 : vector<16xf32>
    %scan3A_91 = arith.constant 2.000000e-02 : f32
    %scan3A_92 = arith.constant 0 : i32
    %scan3A_93 = arith.constant 50 : i32
    %scan3A_94 = arith.addi %scan3A_92, %scan3A_93 : i32
    %scan3A_95 = arith.constant 1 : i32
    %scan3A_96:14 = scf.for %scan3A_297 = %scan3A_92 to %scan3A_94 step %scan3A_95 iter_args(%scan3A_298 = %broadcast_in_dim3A_1, %scan3A_299 = %broadcast_in_dim3A_1, %scan3A_300 = %broadcast_in_dim3A_1, %scan3A_301 = %broadcast_in_dim3A_1, %scan3A_302 = %broadcast_in_dim3A_1, %scan3A_303 = %broadcast_in_dim3A_1, %scan3A_304 = %broadcast_in_dim3A_1, %scan3A_305 = %broadcast_in_dim3A_1, %scan3A_306 = %broadcast_in_dim3A_1, %scan3A_307 = %broadcast_in_dim3A_1, %scan3A_308 = %broadcast_in_dim3A_1, %scan3A_309 = %broadcast_in_dim3A_1, %scan3A_310 = %broadcast_in_dim3A_1, %scan3A_311 = %broadcast_in_dim3A_1) -> (vector<16xf32>, vector<16xf32>, vector<16xf32>, vector<16xf32>, vector<16xf32>, vector<16xf32>, vector<16xf32>, vector<16xf32>, vector<16xf32>, vector<16xf32>, vector<16xf32>, vector<16xf32>, vector<16xf32>, vector<16xf32>)  : i32 {
      %convert_element_type3A_312 = arith.sitofp %scan3A_297 : i32 to f32
      %broadcast_in_dim3A_313 = vector.broadcast %convert_element_type3A_312 : f32 to vector<16xf32>
      %mul3A_314 = vector.broadcast %scan3A_91 : f32 to vector<16xf32>
      %mul3A_315 = arith.mulf %broadcast_in_dim3A_313, %mul3A_314 : vector<16xf32>
      %sub3A = arith.constant 1.000000e+00 : f32
      %sub3A_316 = vector.broadcast %sub3A : f32 to vector<16xf32>
      %sub3A_317 = arith.subf %sub3A_316, %mul3A_315 : vector<16xf32>
      %mul3A_318 = arith.constant 2.000000e+00 : f32
      %mul3A_319 = vector.broadcast %mul3A_318 : f32 to vector<16xf32>
      %mul3A_320 = arith.mulf %mul3A_319, %mul3A_315 : vector<16xf32>
      %sub3A_321 = arith.constant 1.000000e+00 : f32
      %sub3A_322 = vector.broadcast %sub3A_321 : f32 to vector<16xf32>
      %sub3A_323 = arith.subf %mul3A_320, %sub3A_322 : vector<16xf32>
      %mul3A_324 = arith.mulf %mul3A_90, %sub3A_323 : vector<16xf32>
      %add3A_325 = arith.addf %sub3A_317, %mul3A_324 : vector<16xf32>
      %get3A = arith.index_cast %scan3A_297 : i32 to index
      %get3A_326 = arith.constant 0 : index
      %get3A_327 = tpu.vector_load %arg9[%get3A, %get3A_326] {strides = array<i32>} : memref<50x200xi32, #tpu.memory_space<vmem>>, vector<16xi32>,
      %gather3A = tpu.vector_load_idx %arg8[%get3A_327] : memref<100000xf32, #tpu.memory_space<vmem>>[vector<16xi32>], vector<16xf32>,
      %mul3A_328 = arith.mulf %gather3A, %add3A_325 : vector<16xf32>
      %add3A_329 = arith.addf %scan3A_298, %mul3A_328 : vector<16xf32>
      %get3A_330 = arith.index_cast %scan3A_297 : i32 to index
      %get3A_331 = arith.constant 16 : index
      %get3A_332 = tpu.vector_load %arg9[%get3A_330, %get3A_331] {strides = array<i32>} : memref<50x200xi32, #tpu.memory_space<vmem>>, vector<16xi32>,
      %gather3A_333 = tpu.vector_load_idx %arg8[%get3A_332] : memref<100000xf32, #tpu.memory_space<vmem>>[vector<16xi32>], vector<16xf32>,
      %mul3A_334 = arith.mulf %gather3A_333, %add3A_325 : vector<16xf32>
      %add3A_335 = arith.addf %scan3A_299, %mul3A_334 : vector<16xf32>
      %get3A_336 = arith.index_cast %scan3A_297 : i32 to index
      %get3A_337 = arith.constant 32 : index
      %get3A_338 = tpu.vector_load %arg9[%get3A_336, %get3A_337] {strides = array<i32>} : memref<50x200xi32, #tpu.memory_space<vmem>>, vector<16xi32>,
      %gather3A_339 = tpu.vector_load_idx %arg8[%get3A_338] : memref<100000xf32, #tpu.memory_space<vmem>>[vector<16xi32>], vector<16xf32>,
      %mul3A_340 = arith.mulf %gather3A_339, %add3A_325 : vector<16xf32>
      %add3A_341 = arith.addf %scan3A_300, %mul3A_340 : vector<16xf32>
      %get3A_342 = arith.index_cast %scan3A_297 : i32 to index
      %get3A_343 = arith.constant 48 : index
      %get3A_344 = tpu.vector_load %arg9[%get3A_342, %get3A_343] {strides = array<i32>} : memref<50x200xi32, #tpu.memory_space<vmem>>, vector<16xi32>,
      %gather3A_345 = tpu.vector_load_idx %arg8[%get3A_344] : memref<100000xf32, #tpu.memory_space<vmem>>[vector<16xi32>], vector<16xf32>,
      %mul3A_346 = arith.mulf %gather3A_345, %add3A_325 : vector<16xf32>
      %add3A_347 = arith.addf %scan3A_301, %mul3A_346 : vector<16xf32>
      %get3A_348 = arith.index_cast %scan3A_297 : i32 to index
      %get3A_349 = arith.constant 64 : index
      %get3A_350 = tpu.vector_load %arg9[%get3A_348, %get3A_349] {strides = array<i32>} : memref<50x200xi32, #tpu.memory_space<vmem>>, vector<16xi32>,
      %gather3A_351 = tpu.vector_load_idx %arg8[%get3A_350] : memref<100000xf32, #tpu.memory_space<vmem>>[vector<16xi32>], vector<16xf32>,
      %mul3A_352 = arith.mulf %gather3A_351, %add3A_325 : vector<16xf32>
      %add3A_353 = arith.addf %scan3A_302, %mul3A_352 : vector<16xf32>
      %get3A_354 = arith.index_cast %scan3A_297 : i32 to index
      %get3A_355 = arith.constant 80 : index
      %get3A_356 = tpu.vector_load %arg9[%get3A_354, %get3A_355] {strides = array<i32>} : memref<50x200xi32, #tpu.memory_space<vmem>>, vector<16xi32>,
      %gather3A_357 = tpu.vector_load_idx %arg8[%get3A_356] : memref<100000xf32, #tpu.memory_space<vmem>>[vector<16xi32>], vector<16xf32>,
      %mul3A_358 = arith.mulf %gather3A_357, %add3A_325 : vector<16xf32>
      %add3A_359 = arith.addf %scan3A_303, %mul3A_358 : vector<16xf32>
      %get3A_360 = arith.index_cast %scan3A_297 : i32 to index
      %get3A_361 = arith.constant 96 : index
      %get3A_362 = tpu.vector_load %arg9[%get3A_360, %get3A_361] {strides = array<i32>} : memref<50x200xi32, #tpu.memory_space<vmem>>, vector<16xi32>,
      %gather3A_363 = tpu.vector_load_idx %arg8[%get3A_362] : memref<100000xf32, #tpu.memory_space<vmem>>[vector<16xi32>], vector<16xf32>,
      %mul3A_364 = arith.mulf %gather3A_363, %add3A_325 : vector<16xf32>
      %add3A_365 = arith.addf %scan3A_304, %mul3A_364 : vector<16xf32>
      %get3A_366 = arith.index_cast %scan3A_297 : i32 to index
      %get3A_367 = arith.constant 112 : index
      %get3A_368 = tpu.vector_load %arg9[%get3A_366, %get3A_367] {strides = array<i32>} : memref<50x200xi32, #tpu.memory_space<vmem>>, vector<16xi32>,
      %gather3A_369 = tpu.vector_load_idx %arg8[%get3A_368] : memref<100000xf32, #tpu.memory_space<vmem>>[vector<16xi32>], vector<16xf32>,
      %mul3A_370 = arith.mulf %gather3A_369, %add3A_325 : vector<16xf32>
      %add3A_371 = arith.addf %scan3A_305, %mul3A_370 : vector<16xf32>
      %get3A_372 = arith.index_cast %scan3A_297 : i32 to index
      %get3A_373 = arith.constant 128 : index
      %get3A_374 = tpu.vector_load %arg9[%get3A_372, %get3A_373] {strides = array<i32>} : memref<50x200xi32, #tpu.memory_space<vmem>>, vector<16xi32>,
      %gather3A_375 = tpu.vector_load_idx %arg8[%get3A_374] : memref<100000xf32, #tpu.memory_space<vmem>>[vector<16xi32>], vector<16xf32>,
      %mul3A_376 = arith.mulf %gather3A_375, %add3A_325 : vector<16xf32>
      %add3A_377 = arith.addf %scan3A_306, %mul3A_376 : vector<16xf32>
      %get3A_378 = arith.index_cast %scan3A_297 : i32 to index
      %get3A_379 = arith.constant 144 : index
      %get3A_380 = tpu.vector_load %arg9[%get3A_378, %get3A_379] {strides = array<i32>} : memref<50x200xi32, #tpu.memory_space<vmem>>, vector<16xi32>,
      %gather3A_381 = tpu.vector_load_idx %arg8[%get3A_380] : memref<100000xf32, #tpu.memory_space<vmem>>[vector<16xi32>], vector<16xf32>,
      %mul3A_382 = arith.mulf %gather3A_381, %add3A_325 : vector<16xf32>
      %add3A_383 = arith.addf %scan3A_307, %mul3A_382 : vector<16xf32>
      %get3A_384 = arith.index_cast %scan3A_297 : i32 to index
      %get3A_385 = arith.constant 160 : index
      %get3A_386 = tpu.vector_load %arg9[%get3A_384, %get3A_385] {strides = array<i32>} : memref<50x200xi32, #tpu.memory_space<vmem>>, vector<16xi32>,
      %gather3A_387 = tpu.vector_load_idx %arg8[%get3A_386] : memref<100000xf32, #tpu.memory_space<vmem>>[vector<16xi32>], vector<16xf32>,
      %mul3A_388 = arith.mulf %gather3A_387, %add3A_325 : vector<16xf32>
      %add3A_389 = arith.addf %scan3A_308, %mul3A_388 : vector<16xf32>
      %get3A_390 = arith.index_cast %scan3A_297 : i32 to index
      %get3A_391 = arith.constant 176 : index
      %get3A_392 = tpu.vector_load %arg9[%get3A_390, %get3A_391] {strides = array<i32>} : memref<50x200xi32, #tpu.memory_space<vmem>>, vector<16xi32>,
      %gather3A_393 = tpu.vector_load_idx %arg8[%get3A_392] : memref<100000xf32, #tpu.memory_space<vmem>>[vector<16xi32>], vector<16xf32>,
      %mul3A_394 = arith.mulf %gather3A_393, %add3A_325 : vector<16xf32>
      %add3A_395 = arith.addf %scan3A_309, %mul3A_394 : vector<16xf32>
      %get3A_396 = arith.index_cast %scan3A_297 : i32 to index
      %get3A_397 = arith.constant 184 : index
      %get3A_398 = tpu.vector_load %arg9[%get3A_396, %get3A_397] {strides = array<i32>} : memref<50x200xi32, #tpu.memory_space<vmem>>, vector<16xi32>,
      %gather3A_399 = tpu.vector_load_idx %arg8[%get3A_398] : memref<100000xf32, #tpu.memory_space<vmem>>[vector<16xi32>], vector<16xf32>,
      %mul3A_400 = arith.mulf %gather3A_399, %add3A_325 : vector<16xf32>
      %add3A_401 = arith.addf %scan3A_310, %mul3A_400 : vector<16xf32>
      %broadcast_in_dim3A_402 = vector.broadcast %scan3A_297 : i32 to vector<16xi32>
      %gather3A_403 = tpu.vector_load_idx %arg10[%broadcast_in_dim3A_3, %broadcast_in_dim3A_402] : memref<1x50xi32, #tpu.memory_space<vmem>>[vector<16xi32>, vector<16xi32>], vector<16xi32>,
      %gather3A_404 = tpu.vector_load_idx %arg8[%gather3A_403] : memref<100000xf32, #tpu.memory_space<vmem>>[vector<16xi32>], vector<16xf32>,
      %mul3A_405 = arith.mulf %gather3A_404, %add3A_325 : vector<16xf32>
      %add3A_406 = arith.addf %scan3A_311, %mul3A_405 : vector<16xf32>
      scf.yield %add3A_329, %add3A_335, %add3A_341, %add3A_347, %add3A_353, %add3A_359, %add3A_365, %add3A_371, %add3A_377, %add3A_383, %add3A_389, %add3A_395, %add3A_401, %add3A_406 : vector<16xf32>, vector<16xf32>, vector<16xf32>, vector<16xf32>, vector<16xf32>, vector<16xf32>, vector<16xf32>, vector<16xf32>, vector<16xf32>, vector<16xf32>, vector<16xf32>, vector<16xf32>, vector<16xf32>, vector<16xf32>
    }
    %scan3A_97 = arith.constant 50 : i32
    %mul3A_98 = arith.constant 2 : i32
    %mul3A_99 = arith.muli %add3A, %mul3A_98 : i32
    %add3A_100 = arith.constant 0 : i32
    %add3A_101 = arith.addi %mul3A_99, %add3A_100 : i32
    %dma_start3A_102 = arith.constant 0 : i32
    %dma_start3A_103 = tpu.memref_slice %arg3[%add3A_101, %dma_start3A_102] : memref<64x100000xf32, #tpu.memory_space<hbm>> -> memref<1x100000xf32, #tpu.memory_space<hbm>>
    %dma_start3A_104 = tpu.memref_squeeze %dma_start3A_103 : memref<1x100000xf32, #tpu.memory_space<hbm>> -> memref<100000xf32, #tpu.memory_space<hbm>>
    %dma_start3A_105 = arith.constant 0 : i32
    %dma_start3A_106 = tpu.memref_slice %arg3[%add3A_101, %dma_start3A_105] : memref<64x100000xf32, #tpu.memory_space<hbm>> -> memref<1x100000xf32, #tpu.memory_space<hbm>>
    %dma_start3A_107 = tpu.memref_squeeze %dma_start3A_106 : memref<1x100000xf32, #tpu.memory_space<hbm>> -> memref<100000xf32, #tpu.memory_space<hbm>>
    tpu.enqueue_dma source(%dma_start3A_107 : memref<100000xf32, #tpu.memory_space<hbm>>) target(%arg8 : memref<100000xf32, #tpu.memory_space<vmem>>) target_semaphore(%arg15 : memref<!tpu.dma_semaphore, #tpu.memory_space<semaphore_mem>>)
    %swap3A_108 = arith.constant 0 : index
    %swap3A_109 = tpu.vector_load %arg12[%swap3A_108] {strides = array<i32>} : memref<216xf32, #tpu.memory_space<vmem>>, vector<16xf32>,
    tpu.vector_store %arg12[%swap3A_108], %scan3A_96#0 {strides = array<i32>} : memref<216xf32, #tpu.memory_space<vmem>>, vector<16xf32>,
    %swap3A_110 = arith.constant 16 : index
    %swap3A_111 = tpu.vector_load %arg12[%swap3A_110] {strides = array<i32>} : memref<216xf32, #tpu.memory_space<vmem>>, vector<16xf32>,
    tpu.vector_store %arg12[%swap3A_110], %scan3A_96#1 {strides = array<i32>} : memref<216xf32, #tpu.memory_space<vmem>>, vector<16xf32>,
    %swap3A_112 = arith.constant 32 : index
    %swap3A_113 = tpu.vector_load %arg12[%swap3A_112] {strides = array<i32>} : memref<216xf32, #tpu.memory_space<vmem>>, vector<16xf32>,
    tpu.vector_store %arg12[%swap3A_112], %scan3A_96#2 {strides = array<i32>} : memref<216xf32, #tpu.memory_space<vmem>>, vector<16xf32>,
    %swap3A_114 = arith.constant 48 : index
    %swap3A_115 = tpu.vector_load %arg12[%swap3A_114] {strides = array<i32>} : memref<216xf32, #tpu.memory_space<vmem>>, vector<16xf32>,
    tpu.vector_store %arg12[%swap3A_114], %scan3A_96#3 {strides = array<i32>} : memref<216xf32, #tpu.memory_space<vmem>>, vector<16xf32>,
    %swap3A_116 = arith.constant 64 : index
    %swap3A_117 = tpu.vector_load %arg12[%swap3A_116] {strides = array<i32>} : memref<216xf32, #tpu.memory_space<vmem>>, vector<16xf32>,
    tpu.vector_store %arg12[%swap3A_116], %scan3A_96#4 {strides = array<i32>} : memref<216xf32, #tpu.memory_space<vmem>>, vector<16xf32>,
    %swap3A_118 = arith.constant 80 : index
    %swap3A_119 = tpu.vector_load %arg12[%swap3A_118] {strides = array<i32>} : memref<216xf32, #tpu.memory_space<vmem>>, vector<16xf32>,
    tpu.vector_store %arg12[%swap3A_118], %scan3A_96#5 {strides = array<i32>} : memref<216xf32, #tpu.memory_space<vmem>>, vector<16xf32>,
    %swap3A_120 = arith.constant 96 : index
    %swap3A_121 = tpu.vector_load %arg12[%swap3A_120] {strides = array<i32>} : memref<216xf32, #tpu.memory_space<vmem>>, vector<16xf32>,
    tpu.vector_store %arg12[%swap3A_120], %scan3A_96#6 {strides = array<i32>} : memref<216xf32, #tpu.memory_space<vmem>>, vector<16xf32>,
    %swap3A_122 = arith.constant 112 : index
    %swap3A_123 = tpu.vector_load %arg12[%swap3A_122] {strides = array<i32>} : memref<216xf32, #tpu.memory_space<vmem>>, vector<16xf32>,
    tpu.vector_store %arg12[%swap3A_122], %scan3A_96#7 {strides = array<i32>} : memref<216xf32, #tpu.memory_space<vmem>>, vector<16xf32>,
    %swap3A_124 = arith.constant 128 : index
    %swap3A_125 = tpu.vector_load %arg12[%swap3A_124] {strides = array<i32>} : memref<216xf32, #tpu.memory_space<vmem>>, vector<16xf32>,
    tpu.vector_store %arg12[%swap3A_124], %scan3A_96#8 {strides = array<i32>} : memref<216xf32, #tpu.memory_space<vmem>>, vector<16xf32>,
    %swap3A_126 = arith.constant 144 : index
    %swap3A_127 = tpu.vector_load %arg12[%swap3A_126] {strides = array<i32>} : memref<216xf32, #tpu.memory_space<vmem>>, vector<16xf32>,
    tpu.vector_store %arg12[%swap3A_126], %scan3A_96#9 {strides = array<i32>} : memref<216xf32, #tpu.memory_space<vmem>>, vector<16xf32>,
    %swap3A_128 = arith.constant 160 : index
    %swap3A_129 = tpu.vector_load %arg12[%swap3A_128] {strides = array<i32>} : memref<216xf32, #tpu.memory_space<vmem>>, vector<16xf32>,
    tpu.vector_store %arg12[%swap3A_128], %scan3A_96#10 {strides = array<i32>} : memref<216xf32, #tpu.memory_space<vmem>>, vector<16xf32>,
    %swap3A_130 = arith.constant 176 : index
    %swap3A_131 = tpu.vector_load %arg12[%swap3A_130] {strides = array<i32>} : memref<216xf32, #tpu.memory_space<vmem>>, vector<16xf32>,
    tpu.vector_store %arg12[%swap3A_130], %scan3A_96#11 {strides = array<i32>} : memref<216xf32, #tpu.memory_space<vmem>>, vector<16xf32>,
    %swap3A_132 = arith.constant 184 : index
    %swap3A_133 = tpu.vector_load %arg12[%swap3A_132] {strides = array<i32>} : memref<216xf32, #tpu.memory_space<vmem>>, vector<16xf32>,
    tpu.vector_store %arg12[%swap3A_132], %scan3A_96#12 {strides = array<i32>} : memref<216xf32, #tpu.memory_space<vmem>>, vector<16xf32>,
    %iota3A_134 = tpu.iota {dimensions = array<i32: 0>} : vector<16xi32>
    %eq3A_135 = arith.constant 0 : i32
    %eq3A_136 = vector.broadcast %eq3A_135 : i32 to vector<16xi32>
    %eq3A_137 = arith.cmpi eq, %iota3A_134, %eq3A_136 : vector<16xi32>
    %jit3A_138 = arith.constant 0.000000e+00 : f32
    %broadcast_in_dim3A_139 = vector.broadcast %jit3A_138 : f32 to vector<16xf32>
    %select_n3A_140 = arith.select %eq3A_137, %scan3A_96#13, %broadcast_in_dim3A_139 : vector<16xi1>, vector<16xf32>
    %swap3A_141 = arith.constant 200 : index
    %swap3A_142 = tpu.vector_load %arg12[%swap3A_141] {strides = array<i32>} : memref<216xf32, #tpu.memory_space<vmem>>, vector<16xf32>,
    tpu.vector_store %arg12[%swap3A_141], %select_n3A_140 {strides = array<i32>} : memref<216xf32, #tpu.memory_space<vmem>>, vector<16xf32>,
    %dma_start3A_143 = arith.constant 0 : i32
    %dma_start3A_144 = tpu.memref_slice %arg6[%add3A_79, %dma_start3A_143] : memref<64x216xf32, #tpu.memory_space<hbm>> -> memref<1x216xf32, #tpu.memory_space<hbm>>
    %dma_start3A_145 = tpu.memref_squeeze %dma_start3A_144 : memref<1x216xf32, #tpu.memory_space<hbm>> -> memref<216xf32, #tpu.memory_space<hbm>>
    %dma_start3A_146 = arith.constant 0 : i32
    %dma_start3A_147 = tpu.memref_slice %arg6[%add3A_79, %dma_start3A_146] : memref<64x216xf32, #tpu.memory_space<hbm>> -> memref<1x216xf32, #tpu.memory_space<hbm>>
    %dma_start3A_148 = tpu.memref_squeeze %dma_start3A_147 : memref<1x216xf32, #tpu.memory_space<hbm>> -> memref<216xf32, #tpu.memory_space<hbm>>
    tpu.enqueue_dma source(%arg12 : memref<216xf32, #tpu.memory_space<vmem>>) target(%dma_start3A_148 : memref<216xf32, #tpu.memory_space<hbm>>) target_semaphore(%arg16 : memref<!tpu.dma_semaphore, #tpu.memory_space<semaphore_mem>>)
    %mul3A_149 = arith.constant 2 : i32
    %mul3A_150 = arith.muli %add3A, %mul3A_149 : i32
    %add3A_151 = arith.constant 0 : i32
    %add3A_152 = arith.addi %mul3A_150, %add3A_151 : i32
    %dma_wait3A_153 = arith.constant 0 : i32
    %dma_wait3A_154 = tpu.memref_slice %arg3[%add3A_101, %dma_wait3A_153] : memref<64x100000xf32, #tpu.memory_space<hbm>> -> memref<1x100000xf32, #tpu.memory_space<hbm>>
    %dma_wait3A_155 = tpu.memref_squeeze %dma_wait3A_154 : memref<1x100000xf32, #tpu.memory_space<hbm>> -> memref<100000xf32, #tpu.memory_space<hbm>>
    %dma_wait3A_156 = arith.constant 0 : i32
    %dma_wait3A_157 = tpu.memref_slice %arg3[%add3A_101, %dma_wait3A_156] : memref<64x100000xf32, #tpu.memory_space<hbm>> -> memref<1x100000xf32, #tpu.memory_space<hbm>>
    %dma_wait3A_158 = tpu.memref_squeeze %dma_wait3A_157 : memref<1x100000xf32, #tpu.memory_space<hbm>> -> memref<100000xf32, #tpu.memory_space<hbm>>
    tpu.wait_dma2 semaphore(%arg15 : memref<!tpu.dma_semaphore, #tpu.memory_space<semaphore_mem>>) src(%dma_wait3A_158 : memref<100000xf32, #tpu.memory_space<hbm>>) dst(%arg8 : memref<100000xf32, #tpu.memory_space<vmem>>)
    %convert_element_type3A_159 = arith.sitofp %add3A_152 : i32 to f32
    %broadcast_in_dim3A_160 = vector.broadcast %convert_element_type3A_159 : f32 to vector<16xf32>
    %mul3A_161 = arith.constant 1.562500e-02 : f32
    %mul3A_162 = vector.broadcast %mul3A_161 : f32 to vector<16xf32>
    %mul3A_163 = arith.mulf %broadcast_in_dim3A_160, %mul3A_162 : vector<16xf32>
    %scan3A_164 = arith.constant 2.000000e-02 : f32
    %scan3A_165 = arith.constant 0 : i32
    %scan3A_166 = arith.constant 50 : i32
    %scan3A_167 = arith.addi %scan3A_165, %scan3A_166 : i32
    %scan3A_168 = arith.constant 1 : i32
    %scan3A_169:13 = scf.for %scan3A_297 = %scan3A_165 to %scan3A_167 step %scan3A_168 iter_args(%scan3A_298 = %broadcast_in_dim3A_1, %scan3A_299 = %broadcast_in_dim3A_1, %scan3A_300 = %broadcast_in_dim3A_1, %scan3A_301 = %broadcast_in_dim3A_1, %scan3A_302 = %broadcast_in_dim3A_1, %scan3A_303 = %broadcast_in_dim3A_1, %scan3A_304 = %broadcast_in_dim3A_1, %scan3A_305 = %broadcast_in_dim3A_1, %scan3A_306 = %broadcast_in_dim3A_1, %scan3A_307 = %broadcast_in_dim3A_1, %scan3A_308 = %broadcast_in_dim3A_1, %scan3A_309 = %broadcast_in_dim3A_1, %scan3A_310 = %broadcast_in_dim3A_1) -> (vector<16xf32>, vector<16xf32>, vector<16xf32>, vector<16xf32>, vector<16xf32>, vector<16xf32>, vector<16xf32>, vector<16xf32>, vector<16xf32>, vector<16xf32>, vector<16xf32>, vector<16xf32>, vector<16xf32>)  : i32 {
      %convert_element_type3A_311 = arith.sitofp %scan3A_297 : i32 to f32
      %broadcast_in_dim3A_312 = vector.broadcast %convert_element_type3A_311 : f32 to vector<16xf32>
      %mul3A_313 = vector.broadcast %scan3A_164 : f32 to vector<16xf32>
      %mul3A_314 = arith.mulf %broadcast_in_dim3A_312, %mul3A_313 : vector<16xf32>
      %sub3A = arith.constant 1.000000e+00 : f32
      %sub3A_315 = vector.broadcast %sub3A : f32 to vector<16xf32>
      %sub3A_316 = arith.subf %sub3A_315, %mul3A_314 : vector<16xf32>
      %mul3A_317 = arith.constant 2.000000e+00 : f32
      %mul3A_318 = vector.broadcast %mul3A_317 : f32 to vector<16xf32>
      %mul3A_319 = arith.mulf %mul3A_318, %mul3A_314 : vector<16xf32>
      %sub3A_320 = arith.constant 1.000000e+00 : f32
      %sub3A_321 = vector.broadcast %sub3A_320 : f32 to vector<16xf32>
      %sub3A_322 = arith.subf %mul3A_319, %sub3A_321 : vector<16xf32>
      %mul3A_323 = arith.mulf %mul3A_163, %sub3A_322 : vector<16xf32>
      %add3A_324 = arith.addf %sub3A_316, %mul3A_323 : vector<16xf32>
      %get3A = arith.index_cast %scan3A_297 : i32 to index
      %get3A_325 = arith.constant 0 : index
      %get3A_326 = tpu.vector_load %arg9[%get3A, %get3A_325] {strides = array<i32>} : memref<50x200xi32, #tpu.memory_space<vmem>>, vector<16xi32>,
      %gather3A = tpu.vector_load_idx %arg8[%get3A_326] : memref<100000xf32, #tpu.memory_space<vmem>>[vector<16xi32>], vector<16xf32>,
      %mul3A_327 = arith.mulf %gather3A, %add3A_324 : vector<16xf32>
      %add3A_328 = arith.addf %scan3A_298, %mul3A_327 : vector<16xf32>
      %get3A_329 = arith.index_cast %scan3A_297 : i32 to index
      %get3A_330 = arith.constant 16 : index
      %get3A_331 = tpu.vector_load %arg9[%get3A_329, %get3A_330] {strides = array<i32>} : memref<50x200xi32, #tpu.memory_space<vmem>>, vector<16xi32>,
      %gather3A_332 = tpu.vector_load_idx %arg8[%get3A_331] : memref<100000xf32, #tpu.memory_space<vmem>>[vector<16xi32>], vector<16xf32>,
      %mul3A_333 = arith.mulf %gather3A_332, %add3A_324 : vector<16xf32>
      %add3A_334 = arith.addf %scan3A_299, %mul3A_333 : vector<16xf32>
      %get3A_335 = arith.index_cast %scan3A_297 : i32 to index
      %get3A_336 = arith.constant 32 : index
      %get3A_337 = tpu.vector_load %arg9[%get3A_335, %get3A_336] {strides = array<i32>} : memref<50x200xi32, #tpu.memory_space<vmem>>, vector<16xi32>,
      %gather3A_338 = tpu.vector_load_idx %arg8[%get3A_337] : memref<100000xf32, #tpu.memory_space<vmem>>[vector<16xi32>], vector<16xf32>,
      %mul3A_339 = arith.mulf %gather3A_338, %add3A_324 : vector<16xf32>
      %add3A_340 = arith.addf %scan3A_300, %mul3A_339 : vector<16xf32>
      %get3A_341 = arith.index_cast %scan3A_297 : i32 to index
      %get3A_342 = arith.constant 48 : index
      %get3A_343 = tpu.vector_load %arg9[%get3A_341, %get3A_342] {strides = array<i32>} : memref<50x200xi32, #tpu.memory_space<vmem>>, vector<16xi32>,
      %gather3A_344 = tpu.vector_load_idx %arg8[%get3A_343] : memref<100000xf32, #tpu.memory_space<vmem>>[vector<16xi32>], vector<16xf32>,
      %mul3A_345 = arith.mulf %gather3A_344, %add3A_324 : vector<16xf32>
      %add3A_346 = arith.addf %scan3A_301, %mul3A_345 : vector<16xf32>
      %get3A_347 = arith.index_cast %scan3A_297 : i32 to index
      %get3A_348 = arith.constant 64 : index
      %get3A_349 = tpu.vector_load %arg9[%get3A_347, %get3A_348] {strides = array<i32>} : memref<50x200xi32, #tpu.memory_space<vmem>>, vector<16xi32>,
      %gather3A_350 = tpu.vector_load_idx %arg8[%get3A_349] : memref<100000xf32, #tpu.memory_space<vmem>>[vector<16xi32>], vector<16xf32>,
      %mul3A_351 = arith.mulf %gather3A_350, %add3A_324 : vector<16xf32>
      %add3A_352 = arith.addf %scan3A_302, %mul3A_351 : vector<16xf32>
      %get3A_353 = arith.index_cast %scan3A_297 : i32 to index
      %get3A_354 = arith.constant 80 : index
      %get3A_355 = tpu.vector_load %arg9[%get3A_353, %get3A_354] {strides = array<i32>} : memref<50x200xi32, #tpu.memory_space<vmem>>, vector<16xi32>,
      %gather3A_356 = tpu.vector_load_idx %arg8[%get3A_355] : memref<100000xf32, #tpu.memory_space<vmem>>[vector<16xi32>], vector<16xf32>,
      %mul3A_357 = arith.mulf %gather3A_356, %add3A_324 : vector<16xf32>
      %add3A_358 = arith.addf %scan3A_303, %mul3A_357 : vector<16xf32>
      %get3A_359 = arith.index_cast %scan3A_297 : i32 to index
      %get3A_360 = arith.constant 96 : index
      %get3A_361 = tpu.vector_load %arg9[%get3A_359, %get3A_360] {strides = array<i32>} : memref<50x200xi32, #tpu.memory_space<vmem>>, vector<16xi32>,
      %gather3A_362 = tpu.vector_load_idx %arg8[%get3A_361] : memref<100000xf32, #tpu.memory_space<vmem>>[vector<16xi32>], vector<16xf32>,
      %mul3A_363 = arith.mulf %gather3A_362, %add3A_324 : vector<16xf32>
      %add3A_364 = arith.addf %scan3A_304, %mul3A_363 : vector<16xf32>
      %get3A_365 = arith.index_cast %scan3A_297 : i32 to index
      %get3A_366 = arith.constant 112 : index
      %get3A_367 = tpu.vector_load %arg9[%get3A_365, %get3A_366] {strides = array<i32>} : memref<50x200xi32, #tpu.memory_space<vmem>>, vector<16xi32>,
      %gather3A_368 = tpu.vector_load_idx %arg8[%get3A_367] : memref<100000xf32, #tpu.memory_space<vmem>>[vector<16xi32>], vector<16xf32>,
      %mul3A_369 = arith.mulf %gather3A_368, %add3A_324 : vector<16xf32>
      %add3A_370 = arith.addf %scan3A_305, %mul3A_369 : vector<16xf32>
      %get3A_371 = arith.index_cast %scan3A_297 : i32 to index
      %get3A_372 = arith.constant 128 : index
      %get3A_373 = tpu.vector_load %arg9[%get3A_371, %get3A_372] {strides = array<i32>} : memref<50x200xi32, #tpu.memory_space<vmem>>, vector<16xi32>,
      %gather3A_374 = tpu.vector_load_idx %arg8[%get3A_373] : memref<100000xf32, #tpu.memory_space<vmem>>[vector<16xi32>], vector<16xf32>,
      %mul3A_375 = arith.mulf %gather3A_374, %add3A_324 : vector<16xf32>
      %add3A_376 = arith.addf %scan3A_306, %mul3A_375 : vector<16xf32>
      %get3A_377 = arith.index_cast %scan3A_297 : i32 to index
      %get3A_378 = arith.constant 144 : index
      %get3A_379 = tpu.vector_load %arg9[%get3A_377, %get3A_378] {strides = array<i32>} : memref<50x200xi32, #tpu.memory_space<vmem>>, vector<16xi32>,
      %gather3A_380 = tpu.vector_load_idx %arg8[%get3A_379] : memref<100000xf32, #tpu.memory_space<vmem>>[vector<16xi32>], vector<16xf32>,
      %mul3A_381 = arith.mulf %gather3A_380, %add3A_324 : vector<16xf32>
      %add3A_382 = arith.addf %scan3A_307, %mul3A_381 : vector<16xf32>
      %get3A_383 = arith.index_cast %scan3A_297 : i32 to index
      %get3A_384 = arith.constant 160 : index
      %get3A_385 = tpu.vector_load %arg9[%get3A_383, %get3A_384] {strides = array<i32>} : memref<50x200xi32, #tpu.memory_space<vmem>>, vector<16xi32>,
      %gather3A_386 = tpu.vector_load_idx %arg8[%get3A_385] : memref<100000xf32, #tpu.memory_space<vmem>>[vector<16xi32>], vector<16xf32>,
      %mul3A_387 = arith.mulf %gather3A_386, %add3A_324 : vector<16xf32>
      %add3A_388 = arith.addf %scan3A_308, %mul3A_387 : vector<16xf32>
      %get3A_389 = arith.index_cast %scan3A_297 : i32 to index
      %get3A_390 = arith.constant 176 : index
      %get3A_391 = tpu.vector_load %arg9[%get3A_389, %get3A_390] {strides = array<i32>} : memref<50x200xi32, #tpu.memory_space<vmem>>, vector<16xi32>,
      %gather3A_392 = tpu.vector_load_idx %arg8[%get3A_391] : memref<100000xf32, #tpu.memory_space<vmem>>[vector<16xi32>], vector<16xf32>,
      %mul3A_393 = arith.mulf %gather3A_392, %add3A_324 : vector<16xf32>
      %add3A_394 = arith.addf %scan3A_309, %mul3A_393 : vector<16xf32>
      %get3A_395 = arith.index_cast %scan3A_297 : i32 to index
      %get3A_396 = arith.constant 184 : index
      %get3A_397 = tpu.vector_load %arg9[%get3A_395, %get3A_396] {strides = array<i32>} : memref<50x200xi32, #tpu.memory_space<vmem>>, vector<16xi32>,
      %gather3A_398 = tpu.vector_load_idx %arg8[%get3A_397] : memref<100000xf32, #tpu.memory_space<vmem>>[vector<16xi32>], vector<16xf32>,
      %mul3A_399 = arith.mulf %gather3A_398, %add3A_324 : vector<16xf32>
      %add3A_400 = arith.addf %scan3A_310, %mul3A_399 : vector<16xf32>
      scf.yield %add3A_328, %add3A_334, %add3A_340, %add3A_346, %add3A_352, %add3A_358, %add3A_364, %add3A_370, %add3A_376, %add3A_382, %add3A_388, %add3A_394, %add3A_400 : vector<16xf32>, vector<16xf32>, vector<16xf32>, vector<16xf32>, vector<16xf32>, vector<16xf32>, vector<16xf32>, vector<16xf32>, vector<16xf32>, vector<16xf32>, vector<16xf32>, vector<16xf32>, vector<16xf32>
    }
    %scan3A_170 = arith.constant 50 : i32
    %mul3A_171 = arith.constant 2 : i32
    %mul3A_172 = arith.muli %add3A, %mul3A_171 : i32
    %add3A_173 = arith.constant 1 : i32
    %add3A_174 = arith.addi %mul3A_172, %add3A_173 : i32
    %dma_start3A_175 = arith.constant 0 : i32
    %dma_start3A_176 = tpu.memref_slice %arg3[%add3A_174, %dma_start3A_175] : memref<64x100000xf32, #tpu.memory_space<hbm>> -> memref<1x100000xf32, #tpu.memory_space<hbm>>
    %dma_start3A_177 = tpu.memref_squeeze %dma_start3A_176 : memref<1x100000xf32, #tpu.memory_space<hbm>> -> memref<100000xf32, #tpu.memory_space<hbm>>
    %dma_start3A_178 = arith.constant 0 : i32
    %dma_start3A_179 = tpu.memref_slice %arg3[%add3A_174, %dma_start3A_178] : memref<64x100000xf32, #tpu.memory_space<hbm>> -> memref<1x100000xf32, #tpu.memory_space<hbm>>
    %dma_start3A_180 = tpu.memref_squeeze %dma_start3A_179 : memref<1x100000xf32, #tpu.memory_space<hbm>> -> memref<100000xf32, #tpu.memory_space<hbm>>
    tpu.enqueue_dma source(%dma_start3A_180 : memref<100000xf32, #tpu.memory_space<hbm>>) target(%arg8 : memref<100000xf32, #tpu.memory_space<vmem>>) target_semaphore(%arg15 : memref<!tpu.dma_semaphore, #tpu.memory_space<semaphore_mem>>)
    %swap3A_181 = arith.constant 0 : index
    %swap3A_182 = tpu.vector_load %arg13[%swap3A_181] {strides = array<i32>} : memref<216xf32, #tpu.memory_space<vmem>>, vector<16xf32>,
    tpu.vector_store %arg13[%swap3A_181], %scan3A_169#0 {strides = array<i32>} : memref<216xf32, #tpu.memory_space<vmem>>, vector<16xf32>,
    %swap3A_183 = arith.constant 16 : index
    %swap3A_184 = tpu.vector_load %arg13[%swap3A_183] {strides = array<i32>} : memref<216xf32, #tpu.memory_space<vmem>>, vector<16xf32>,
    tpu.vector_store %arg13[%swap3A_183], %scan3A_169#1 {strides = array<i32>} : memref<216xf32, #tpu.memory_space<vmem>>, vector<16xf32>,
    %swap3A_185 = arith.constant 32 : index
    %swap3A_186 = tpu.vector_load %arg13[%swap3A_185] {strides = array<i32>} : memref<216xf32, #tpu.memory_space<vmem>>, vector<16xf32>,
    tpu.vector_store %arg13[%swap3A_185], %scan3A_169#2 {strides = array<i32>} : memref<216xf32, #tpu.memory_space<vmem>>, vector<16xf32>,
    %swap3A_187 = arith.constant 48 : index
    %swap3A_188 = tpu.vector_load %arg13[%swap3A_187] {strides = array<i32>} : memref<216xf32, #tpu.memory_space<vmem>>, vector<16xf32>,
    tpu.vector_store %arg13[%swap3A_187], %scan3A_169#3 {strides = array<i32>} : memref<216xf32, #tpu.memory_space<vmem>>, vector<16xf32>,
    %swap3A_189 = arith.constant 64 : index
    %swap3A_190 = tpu.vector_load %arg13[%swap3A_189] {strides = array<i32>} : memref<216xf32, #tpu.memory_space<vmem>>, vector<16xf32>,
    tpu.vector_store %arg13[%swap3A_189], %scan3A_169#4 {strides = array<i32>} : memref<216xf32, #tpu.memory_space<vmem>>, vector<16xf32>,
    %swap3A_191 = arith.constant 80 : index
    %swap3A_192 = tpu.vector_load %arg13[%swap3A_191] {strides = array<i32>} : memref<216xf32, #tpu.memory_space<vmem>>, vector<16xf32>,
    tpu.vector_store %arg13[%swap3A_191], %scan3A_169#5 {strides = array<i32>} : memref<216xf32, #tpu.memory_space<vmem>>, vector<16xf32>,
    %swap3A_193 = arith.constant 96 : index
    %swap3A_194 = tpu.vector_load %arg13[%swap3A_193] {strides = array<i32>} : memref<216xf32, #tpu.memory_space<vmem>>, vector<16xf32>,
    tpu.vector_store %arg13[%swap3A_193], %scan3A_169#6 {strides = array<i32>} : memref<216xf32, #tpu.memory_space<vmem>>, vector<16xf32>,
    %swap3A_195 = arith.constant 112 : index
    %swap3A_196 = tpu.vector_load %arg13[%swap3A_195] {strides = array<i32>} : memref<216xf32, #tpu.memory_space<vmem>>, vector<16xf32>,
    tpu.vector_store %arg13[%swap3A_195], %scan3A_169#7 {strides = array<i32>} : memref<216xf32, #tpu.memory_space<vmem>>, vector<16xf32>,
    %swap3A_197 = arith.constant 128 : index
    %swap3A_198 = tpu.vector_load %arg13[%swap3A_197] {strides = array<i32>} : memref<216xf32, #tpu.memory_space<vmem>>, vector<16xf32>,
    tpu.vector_store %arg13[%swap3A_197], %scan3A_169#8 {strides = array<i32>} : memref<216xf32, #tpu.memory_space<vmem>>, vector<16xf32>,
    %swap3A_199 = arith.constant 144 : index
    %swap3A_200 = tpu.vector_load %arg13[%swap3A_199] {strides = array<i32>} : memref<216xf32, #tpu.memory_space<vmem>>, vector<16xf32>,
    tpu.vector_store %arg13[%swap3A_199], %scan3A_169#9 {strides = array<i32>} : memref<216xf32, #tpu.memory_space<vmem>>, vector<16xf32>,
    %swap3A_201 = arith.constant 160 : index
    %swap3A_202 = tpu.vector_load %arg13[%swap3A_201] {strides = array<i32>} : memref<216xf32, #tpu.memory_space<vmem>>, vector<16xf32>,
    tpu.vector_store %arg13[%swap3A_201], %scan3A_169#10 {strides = array<i32>} : memref<216xf32, #tpu.memory_space<vmem>>, vector<16xf32>,
    %swap3A_203 = arith.constant 176 : index
    %swap3A_204 = tpu.vector_load %arg13[%swap3A_203] {strides = array<i32>} : memref<216xf32, #tpu.memory_space<vmem>>, vector<16xf32>,
    tpu.vector_store %arg13[%swap3A_203], %scan3A_169#11 {strides = array<i32>} : memref<216xf32, #tpu.memory_space<vmem>>, vector<16xf32>,
    %swap3A_205 = arith.constant 184 : index
    %swap3A_206 = tpu.vector_load %arg13[%swap3A_205] {strides = array<i32>} : memref<216xf32, #tpu.memory_space<vmem>>, vector<16xf32>,
    tpu.vector_store %arg13[%swap3A_205], %scan3A_169#12 {strides = array<i32>} : memref<216xf32, #tpu.memory_space<vmem>>, vector<16xf32>,
    %iota3A_207 = tpu.iota {dimensions = array<i32: 0>} : vector<16xi32>
    %swap3A_208 = arith.constant 200 : index
    %swap3A_209 = tpu.vector_load %arg13[%swap3A_208] {strides = array<i32>} : memref<216xf32, #tpu.memory_space<vmem>>, vector<16xf32>,
    tpu.vector_store %arg13[%swap3A_208], %broadcast_in_dim3A_1 {strides = array<i32>} : memref<216xf32, #tpu.memory_space<vmem>>, vector<16xf32>,
    %dma_start3A_210 = arith.constant 0 : i32
    %dma_start3A_211 = tpu.memref_slice %arg7[%add3A_152, %dma_start3A_210] : memref<64x216xf32, #tpu.memory_space<hbm>> -> memref<1x216xf32, #tpu.memory_space<hbm>>
    %dma_start3A_212 = tpu.memref_squeeze %dma_start3A_211 : memref<1x216xf32, #tpu.memory_space<hbm>> -> memref<216xf32, #tpu.memory_space<hbm>>
    %dma_start3A_213 = arith.constant 0 : i32
    %dma_start3A_214 = tpu.memref_slice %arg7[%add3A_152, %dma_start3A_213] : memref<64x216xf32, #tpu.memory_space<hbm>> -> memref<1x216xf32, #tpu.memory_space<hbm>>
    %dma_start3A_215 = tpu.memref_squeeze %dma_start3A_214 : memref<1x216xf32, #tpu.memory_space<hbm>> -> memref<216xf32, #tpu.memory_space<hbm>>
    tpu.enqueue_dma source(%arg13 : memref<216xf32, #tpu.memory_space<vmem>>) target(%dma_start3A_215 : memref<216xf32, #tpu.memory_space<hbm>>) target_semaphore(%arg16 : memref<!tpu.dma_semaphore, #tpu.memory_space<semaphore_mem>>)
    %mul3A_216 = arith.constant 2 : i32
    %mul3A_217 = arith.muli %add3A, %mul3A_216 : i32
    %add3A_218 = arith.constant 1 : i32
    %add3A_219 = arith.addi %mul3A_217, %add3A_218 : i32
    %dma_wait3A_220 = arith.constant 0 : i32
    %dma_wait3A_221 = tpu.memref_slice %arg3[%add3A_174, %dma_wait3A_220] : memref<64x100000xf32, #tpu.memory_space<hbm>> -> memref<1x100000xf32, #tpu.memory_space<hbm>>
    %dma_wait3A_222 = tpu.memref_squeeze %dma_wait3A_221 : memref<1x100000xf32, #tpu.memory_space<hbm>> -> memref<100000xf32, #tpu.memory_space<hbm>>
    %dma_wait3A_223 = arith.constant 0 : i32
    %dma_wait3A_224 = tpu.memref_slice %arg3[%add3A_174, %dma_wait3A_223] : memref<64x100000xf32, #tpu.memory_space<hbm>> -> memref<1x100000xf32, #tpu.memory_space<hbm>>
    %dma_wait3A_225 = tpu.memref_squeeze %dma_wait3A_224 : memref<1x100000xf32, #tpu.memory_space<hbm>> -> memref<100000xf32, #tpu.memory_space<hbm>>
    tpu.wait_dma2 semaphore(%arg15 : memref<!tpu.dma_semaphore, #tpu.memory_space<semaphore_mem>>) src(%dma_wait3A_225 : memref<100000xf32, #tpu.memory_space<hbm>>) dst(%arg8 : memref<100000xf32, #tpu.memory_space<vmem>>)
    %convert_element_type3A_226 = arith.sitofp %add3A_219 : i32 to f32
    %broadcast_in_dim3A_227 = vector.broadcast %convert_element_type3A_226 : f32 to vector<16xf32>
    %mul3A_228 = arith.constant 1.562500e-02 : f32
    %mul3A_229 = vector.broadcast %mul3A_228 : f32 to vector<16xf32>
    %mul3A_230 = arith.mulf %broadcast_in_dim3A_227, %mul3A_229 : vector<16xf32>
    %scan3A_231 = arith.constant 2.000000e-02 : f32
    %scan3A_232 = arith.constant 0 : i32
    %scan3A_233 = arith.constant 50 : i32
    %scan3A_234 = arith.addi %scan3A_232, %scan3A_233 : i32
    %scan3A_235 = arith.constant 1 : i32
    %scan3A_236:13 = scf.for %scan3A_297 = %scan3A_232 to %scan3A_234 step %scan3A_235 iter_args(%scan3A_298 = %broadcast_in_dim3A_1, %scan3A_299 = %broadcast_in_dim3A_1, %scan3A_300 = %broadcast_in_dim3A_1, %scan3A_301 = %broadcast_in_dim3A_1, %scan3A_302 = %broadcast_in_dim3A_1, %scan3A_303 = %broadcast_in_dim3A_1, %scan3A_304 = %broadcast_in_dim3A_1, %scan3A_305 = %broadcast_in_dim3A_1, %scan3A_306 = %broadcast_in_dim3A_1, %scan3A_307 = %broadcast_in_dim3A_1, %scan3A_308 = %broadcast_in_dim3A_1, %scan3A_309 = %broadcast_in_dim3A_1, %scan3A_310 = %broadcast_in_dim3A_1) -> (vector<16xf32>, vector<16xf32>, vector<16xf32>, vector<16xf32>, vector<16xf32>, vector<16xf32>, vector<16xf32>, vector<16xf32>, vector<16xf32>, vector<16xf32>, vector<16xf32>, vector<16xf32>, vector<16xf32>)  : i32 {
      %convert_element_type3A_311 = arith.sitofp %scan3A_297 : i32 to f32
      %broadcast_in_dim3A_312 = vector.broadcast %convert_element_type3A_311 : f32 to vector<16xf32>
      %mul3A_313 = vector.broadcast %scan3A_231 : f32 to vector<16xf32>
      %mul3A_314 = arith.mulf %broadcast_in_dim3A_312, %mul3A_313 : vector<16xf32>
      %sub3A = arith.constant 1.000000e+00 : f32
      %sub3A_315 = vector.broadcast %sub3A : f32 to vector<16xf32>
      %sub3A_316 = arith.subf %sub3A_315, %mul3A_314 : vector<16xf32>
      %mul3A_317 = arith.constant 2.000000e+00 : f32
      %mul3A_318 = vector.broadcast %mul3A_317 : f32 to vector<16xf32>
      %mul3A_319 = arith.mulf %mul3A_318, %mul3A_314 : vector<16xf32>
      %sub3A_320 = arith.constant 1.000000e+00 : f32
      %sub3A_321 = vector.broadcast %sub3A_320 : f32 to vector<16xf32>
      %sub3A_322 = arith.subf %mul3A_319, %sub3A_321 : vector<16xf32>
      %mul3A_323 = arith.mulf %mul3A_230, %sub3A_322 : vector<16xf32>
      %add3A_324 = arith.addf %sub3A_316, %mul3A_323 : vector<16xf32>
      %get3A = arith.index_cast %scan3A_297 : i32 to index
      %get3A_325 = arith.constant 0 : index
      %get3A_326 = tpu.vector_load %arg9[%get3A, %get3A_325] {strides = array<i32>} : memref<50x200xi32, #tpu.memory_space<vmem>>, vector<16xi32>,
      %gather3A = tpu.vector_load_idx %arg8[%get3A_326] : memref<100000xf32, #tpu.memory_space<vmem>>[vector<16xi32>], vector<16xf32>,
      %mul3A_327 = arith.mulf %gather3A, %add3A_324 : vector<16xf32>
      %add3A_328 = arith.addf %scan3A_298, %mul3A_327 : vector<16xf32>
      %get3A_329 = arith.index_cast %scan3A_297 : i32 to index
      %get3A_330 = arith.constant 16 : index
      %get3A_331 = tpu.vector_load %arg9[%get3A_329, %get3A_330] {strides = array<i32>} : memref<50x200xi32, #tpu.memory_space<vmem>>, vector<16xi32>,
      %gather3A_332 = tpu.vector_load_idx %arg8[%get3A_331] : memref<100000xf32, #tpu.memory_space<vmem>>[vector<16xi32>], vector<16xf32>,
      %mul3A_333 = arith.mulf %gather3A_332, %add3A_324 : vector<16xf32>
      %add3A_334 = arith.addf %scan3A_299, %mul3A_333 : vector<16xf32>
      %get3A_335 = arith.index_cast %scan3A_297 : i32 to index
      %get3A_336 = arith.constant 32 : index
      %get3A_337 = tpu.vector_load %arg9[%get3A_335, %get3A_336] {strides = array<i32>} : memref<50x200xi32, #tpu.memory_space<vmem>>, vector<16xi32>,
      %gather3A_338 = tpu.vector_load_idx %arg8[%get3A_337] : memref<100000xf32, #tpu.memory_space<vmem>>[vector<16xi32>], vector<16xf32>,
      %mul3A_339 = arith.mulf %gather3A_338, %add3A_324 : vector<16xf32>
      %add3A_340 = arith.addf %scan3A_300, %mul3A_339 : vector<16xf32>
      %get3A_341 = arith.index_cast %scan3A_297 : i32 to index
      %get3A_342 = arith.constant 48 : index
      %get3A_343 = tpu.vector_load %arg9[%get3A_341, %get3A_342] {strides = array<i32>} : memref<50x200xi32, #tpu.memory_space<vmem>>, vector<16xi32>,
      %gather3A_344 = tpu.vector_load_idx %arg8[%get3A_343] : memref<100000xf32, #tpu.memory_space<vmem>>[vector<16xi32>], vector<16xf32>,
      %mul3A_345 = arith.mulf %gather3A_344, %add3A_324 : vector<16xf32>
      %add3A_346 = arith.addf %scan3A_301, %mul3A_345 : vector<16xf32>
      %get3A_347 = arith.index_cast %scan3A_297 : i32 to index
      %get3A_348 = arith.constant 64 : index
      %get3A_349 = tpu.vector_load %arg9[%get3A_347, %get3A_348] {strides = array<i32>} : memref<50x200xi32, #tpu.memory_space<vmem>>, vector<16xi32>,
      %gather3A_350 = tpu.vector_load_idx %arg8[%get3A_349] : memref<100000xf32, #tpu.memory_space<vmem>>[vector<16xi32>], vector<16xf32>,
      %mul3A_351 = arith.mulf %gather3A_350, %add3A_324 : vector<16xf32>
      %add3A_352 = arith.addf %scan3A_302, %mul3A_351 : vector<16xf32>
      %get3A_353 = arith.index_cast %scan3A_297 : i32 to index
      %get3A_354 = arith.constant 80 : index
      %get3A_355 = tpu.vector_load %arg9[%get3A_353, %get3A_354] {strides = array<i32>} : memref<50x200xi32, #tpu.memory_space<vmem>>, vector<16xi32>,
      %gather3A_356 = tpu.vector_load_idx %arg8[%get3A_355] : memref<100000xf32, #tpu.memory_space<vmem>>[vector<16xi32>], vector<16xf32>,
      %mul3A_357 = arith.mulf %gather3A_356, %add3A_324 : vector<16xf32>
      %add3A_358 = arith.addf %scan3A_303, %mul3A_357 : vector<16xf32>
      %get3A_359 = arith.index_cast %scan3A_297 : i32 to index
      %get3A_360 = arith.constant 96 : index
      %get3A_361 = tpu.vector_load %arg9[%get3A_359, %get3A_360] {strides = array<i32>} : memref<50x200xi32, #tpu.memory_space<vmem>>, vector<16xi32>,
      %gather3A_362 = tpu.vector_load_idx %arg8[%get3A_361] : memref<100000xf32, #tpu.memory_space<vmem>>[vector<16xi32>], vector<16xf32>,
      %mul3A_363 = arith.mulf %gather3A_362, %add3A_324 : vector<16xf32>
      %add3A_364 = arith.addf %scan3A_304, %mul3A_363 : vector<16xf32>
      %get3A_365 = arith.index_cast %scan3A_297 : i32 to index
      %get3A_366 = arith.constant 112 : index
      %get3A_367 = tpu.vector_load %arg9[%get3A_365, %get3A_366] {strides = array<i32>} : memref<50x200xi32, #tpu.memory_space<vmem>>, vector<16xi32>,
      %gather3A_368 = tpu.vector_load_idx %arg8[%get3A_367] : memref<100000xf32, #tpu.memory_space<vmem>>[vector<16xi32>], vector<16xf32>,
      %mul3A_369 = arith.mulf %gather3A_368, %add3A_324 : vector<16xf32>
      %add3A_370 = arith.addf %scan3A_305, %mul3A_369 : vector<16xf32>
      %get3A_371 = arith.index_cast %scan3A_297 : i32 to index
      %get3A_372 = arith.constant 128 : index
      %get3A_373 = tpu.vector_load %arg9[%get3A_371, %get3A_372] {strides = array<i32>} : memref<50x200xi32, #tpu.memory_space<vmem>>, vector<16xi32>,
      %gather3A_374 = tpu.vector_load_idx %arg8[%get3A_373] : memref<100000xf32, #tpu.memory_space<vmem>>[vector<16xi32>], vector<16xf32>,
      %mul3A_375 = arith.mulf %gather3A_374, %add3A_324 : vector<16xf32>
      %add3A_376 = arith.addf %scan3A_306, %mul3A_375 : vector<16xf32>
      %get3A_377 = arith.index_cast %scan3A_297 : i32 to index
      %get3A_378 = arith.constant 144 : index
      %get3A_379 = tpu.vector_load %arg9[%get3A_377, %get3A_378] {strides = array<i32>} : memref<50x200xi32, #tpu.memory_space<vmem>>, vector<16xi32>,
      %gather3A_380 = tpu.vector_load_idx %arg8[%get3A_379] : memref<100000xf32, #tpu.memory_space<vmem>>[vector<16xi32>], vector<16xf32>,
      %mul3A_381 = arith.mulf %gather3A_380, %add3A_324 : vector<16xf32>
      %add3A_382 = arith.addf %scan3A_307, %mul3A_381 : vector<16xf32>
      %get3A_383 = arith.index_cast %scan3A_297 : i32 to index
      %get3A_384 = arith.constant 160 : index
      %get3A_385 = tpu.vector_load %arg9[%get3A_383, %get3A_384] {strides = array<i32>} : memref<50x200xi32, #tpu.memory_space<vmem>>, vector<16xi32>,
      %gather3A_386 = tpu.vector_load_idx %arg8[%get3A_385] : memref<100000xf32, #tpu.memory_space<vmem>>[vector<16xi32>], vector<16xf32>,
      %mul3A_387 = arith.mulf %gather3A_386, %add3A_324 : vector<16xf32>
      %add3A_388 = arith.addf %scan3A_308, %mul3A_387 : vector<16xf32>
      %get3A_389 = arith.index_cast %scan3A_297 : i32 to index
      %get3A_390 = arith.constant 176 : index
      %get3A_391 = tpu.vector_load %arg9[%get3A_389, %get3A_390] {strides = array<i32>} : memref<50x200xi32, #tpu.memory_space<vmem>>, vector<16xi32>,
      %gather3A_392 = tpu.vector_load_idx %arg8[%get3A_391] : memref<100000xf32, #tpu.memory_space<vmem>>[vector<16xi32>], vector<16xf32>,
      %mul3A_393 = arith.mulf %gather3A_392, %add3A_324 : vector<16xf32>
      %add3A_394 = arith.addf %scan3A_309, %mul3A_393 : vector<16xf32>
      %get3A_395 = arith.index_cast %scan3A_297 : i32 to index
      %get3A_396 = arith.constant 184 : index
      %get3A_397 = tpu.vector_load %arg9[%get3A_395, %get3A_396] {strides = array<i32>} : memref<50x200xi32, #tpu.memory_space<vmem>>, vector<16xi32>,
      %gather3A_398 = tpu.vector_load_idx %arg8[%get3A_397] : memref<100000xf32, #tpu.memory_space<vmem>>[vector<16xi32>], vector<16xf32>,
      %mul3A_399 = arith.mulf %gather3A_398, %add3A_324 : vector<16xf32>
      %add3A_400 = arith.addf %scan3A_310, %mul3A_399 : vector<16xf32>
      scf.yield %add3A_328, %add3A_334, %add3A_340, %add3A_346, %add3A_352, %add3A_358, %add3A_364, %add3A_370, %add3A_376, %add3A_382, %add3A_388, %add3A_394, %add3A_400 : vector<16xf32>, vector<16xf32>, vector<16xf32>, vector<16xf32>, vector<16xf32>, vector<16xf32>, vector<16xf32>, vector<16xf32>, vector<16xf32>, vector<16xf32>, vector<16xf32>, vector<16xf32>, vector<16xf32>
    }
    %scan3A_237 = arith.constant 50 : i32
    %swap3A_238 = arith.constant 0 : index
    %swap3A_239 = tpu.vector_load %arg14[%swap3A_238] {strides = array<i32>} : memref<216xf32, #tpu.memory_space<vmem>>, vector<16xf32>,
    tpu.vector_store %arg14[%swap3A_238], %scan3A_236#0 {strides = array<i32>} : memref<216xf32, #tpu.memory_space<vmem>>, vector<16xf32>,
    %swap3A_240 = arith.constant 16 : index
    %swap3A_241 = tpu.vector_load %arg14[%swap3A_240] {strides = array<i32>} : memref<216xf32, #tpu.memory_space<vmem>>, vector<16xf32>,
    tpu.vector_store %arg14[%swap3A_240], %scan3A_236#1 {strides = array<i32>} : memref<216xf32, #tpu.memory_space<vmem>>, vector<16xf32>,
    %swap3A_242 = arith.constant 32 : index
    %swap3A_243 = tpu.vector_load %arg14[%swap3A_242] {strides = array<i32>} : memref<216xf32, #tpu.memory_space<vmem>>, vector<16xf32>,
    tpu.vector_store %arg14[%swap3A_242], %scan3A_236#2 {strides = array<i32>} : memref<216xf32, #tpu.memory_space<vmem>>, vector<16xf32>,
    %swap3A_244 = arith.constant 48 : index
    %swap3A_245 = tpu.vector_load %arg14[%swap3A_244] {strides = array<i32>} : memref<216xf32, #tpu.memory_space<vmem>>, vector<16xf32>,
    tpu.vector_store %arg14[%swap3A_244], %scan3A_236#3 {strides = array<i32>} : memref<216xf32, #tpu.memory_space<vmem>>, vector<16xf32>,
    %swap3A_246 = arith.constant 64 : index
    %swap3A_247 = tpu.vector_load %arg14[%swap3A_246] {strides = array<i32>} : memref<216xf32, #tpu.memory_space<vmem>>, vector<16xf32>,
    tpu.vector_store %arg14[%swap3A_246], %scan3A_236#4 {strides = array<i32>} : memref<216xf32, #tpu.memory_space<vmem>>, vector<16xf32>,
    %swap3A_248 = arith.constant 80 : index
    %swap3A_249 = tpu.vector_load %arg14[%swap3A_248] {strides = array<i32>} : memref<216xf32, #tpu.memory_space<vmem>>, vector<16xf32>,
    tpu.vector_store %arg14[%swap3A_248], %scan3A_236#5 {strides = array<i32>} : memref<216xf32, #tpu.memory_space<vmem>>, vector<16xf32>,
    %swap3A_250 = arith.constant 96 : index
    %swap3A_251 = tpu.vector_load %arg14[%swap3A_250] {strides = array<i32>} : memref<216xf32, #tpu.memory_space<vmem>>, vector<16xf32>,
    tpu.vector_store %arg14[%swap3A_250], %scan3A_236#6 {strides = array<i32>} : memref<216xf32, #tpu.memory_space<vmem>>, vector<16xf32>,
    %swap3A_252 = arith.constant 112 : index
    %swap3A_253 = tpu.vector_load %arg14[%swap3A_252] {strides = array<i32>} : memref<216xf32, #tpu.memory_space<vmem>>, vector<16xf32>,
    tpu.vector_store %arg14[%swap3A_252], %scan3A_236#7 {strides = array<i32>} : memref<216xf32, #tpu.memory_space<vmem>>, vector<16xf32>,
    %swap3A_254 = arith.constant 128 : index
    %swap3A_255 = tpu.vector_load %arg14[%swap3A_254] {strides = array<i32>} : memref<216xf32, #tpu.memory_space<vmem>>, vector<16xf32>,
    tpu.vector_store %arg14[%swap3A_254], %scan3A_236#8 {strides = array<i32>} : memref<216xf32, #tpu.memory_space<vmem>>, vector<16xf32>,
    %swap3A_256 = arith.constant 144 : index
    %swap3A_257 = tpu.vector_load %arg14[%swap3A_256] {strides = array<i32>} : memref<216xf32, #tpu.memory_space<vmem>>, vector<16xf32>,
    tpu.vector_store %arg14[%swap3A_256], %scan3A_236#9 {strides = array<i32>} : memref<216xf32, #tpu.memory_space<vmem>>, vector<16xf32>,
    %swap3A_258 = arith.constant 160 : index
    %swap3A_259 = tpu.vector_load %arg14[%swap3A_258] {strides = array<i32>} : memref<216xf32, #tpu.memory_space<vmem>>, vector<16xf32>,
    tpu.vector_store %arg14[%swap3A_258], %scan3A_236#10 {strides = array<i32>} : memref<216xf32, #tpu.memory_space<vmem>>, vector<16xf32>,
    %swap3A_260 = arith.constant 176 : index
    %swap3A_261 = tpu.vector_load %arg14[%swap3A_260] {strides = array<i32>} : memref<216xf32, #tpu.memory_space<vmem>>, vector<16xf32>,
    tpu.vector_store %arg14[%swap3A_260], %scan3A_236#11 {strides = array<i32>} : memref<216xf32, #tpu.memory_space<vmem>>, vector<16xf32>,
    %swap3A_262 = arith.constant 184 : index
    %swap3A_263 = tpu.vector_load %arg14[%swap3A_262] {strides = array<i32>} : memref<216xf32, #tpu.memory_space<vmem>>, vector<16xf32>,
    tpu.vector_store %arg14[%swap3A_262], %scan3A_236#12 {strides = array<i32>} : memref<216xf32, #tpu.memory_space<vmem>>, vector<16xf32>,
    %iota3A_264 = tpu.iota {dimensions = array<i32: 0>} : vector<16xi32>
    %swap3A_265 = arith.constant 200 : index
    %swap3A_266 = tpu.vector_load %arg14[%swap3A_265] {strides = array<i32>} : memref<216xf32, #tpu.memory_space<vmem>>, vector<16xf32>,
    tpu.vector_store %arg14[%swap3A_265], %broadcast_in_dim3A_1 {strides = array<i32>} : memref<216xf32, #tpu.memory_space<vmem>>, vector<16xf32>,
    %dma_start3A_267 = arith.constant 0 : i32
    %dma_start3A_268 = tpu.memref_slice %arg7[%add3A_219, %dma_start3A_267] : memref<64x216xf32, #tpu.memory_space<hbm>> -> memref<1x216xf32, #tpu.memory_space<hbm>>
    %dma_start3A_269 = tpu.memref_squeeze %dma_start3A_268 : memref<1x216xf32, #tpu.memory_space<hbm>> -> memref<216xf32, #tpu.memory_space<hbm>>
    %dma_start3A_270 = arith.constant 0 : i32
    %dma_start3A_271 = tpu.memref_slice %arg7[%add3A_219, %dma_start3A_270] : memref<64x216xf32, #tpu.memory_space<hbm>> -> memref<1x216xf32, #tpu.memory_space<hbm>>
    %dma_start3A_272 = tpu.memref_squeeze %dma_start3A_271 : memref<1x216xf32, #tpu.memory_space<hbm>> -> memref<216xf32, #tpu.memory_space<hbm>>
    tpu.enqueue_dma source(%arg14 : memref<216xf32, #tpu.memory_space<vmem>>) target(%dma_start3A_272 : memref<216xf32, #tpu.memory_space<hbm>>) target_semaphore(%arg16 : memref<!tpu.dma_semaphore, #tpu.memory_space<semaphore_mem>>)
    %dma_wait3A_273 = arith.constant 0 : i32
    %dma_wait3A_274 = tpu.memref_slice %arg6[%add3A_14, %dma_wait3A_273] : memref<64x216xf32, #tpu.memory_space<hbm>> -> memref<1x216xf32, #tpu.memory_space<hbm>>
    %dma_wait3A_275 = tpu.memref_squeeze %dma_wait3A_274 : memref<1x216xf32, #tpu.memory_space<hbm>> -> memref<216xf32, #tpu.memory_space<hbm>>
    %dma_wait3A_276 = arith.constant 0 : i32
    %dma_wait3A_277 = tpu.memref_slice %arg6[%add3A_14, %dma_wait3A_276] : memref<64x216xf32, #tpu.memory_space<hbm>> -> memref<1x216xf32, #tpu.memory_space<hbm>>
    %dma_wait3A_278 = tpu.memref_squeeze %dma_wait3A_277 : memref<1x216xf32, #tpu.memory_space<hbm>> -> memref<216xf32, #tpu.memory_space<hbm>>
    tpu.wait_dma2 semaphore(%arg16 : memref<!tpu.dma_semaphore, #tpu.memory_space<semaphore_mem>>) src(%arg11 : memref<216xf32, #tpu.memory_space<vmem>>) dst(%dma_wait3A_278 : memref<216xf32, #tpu.memory_space<hbm>>)
    %dma_wait3A_279 = arith.constant 0 : i32
    %dma_wait3A_280 = tpu.memref_slice %arg6[%add3A_79, %dma_wait3A_279] : memref<64x216xf32, #tpu.memory_space<hbm>> -> memref<1x216xf32, #tpu.memory_space<hbm>>
    %dma_wait3A_281 = tpu.memref_squeeze %dma_wait3A_280 : memref<1x216xf32, #tpu.memory_space<hbm>> -> memref<216xf32, #tpu.memory_space<hbm>>
    %dma_wait3A_282 = arith.constant 0 : i32
    %dma_wait3A_283 = tpu.memref_slice %arg6[%add3A_79, %dma_wait3A_282] : memref<64x216xf32, #tpu.memory_space<hbm>> -> memref<1x216xf32, #tpu.memory_space<hbm>>
    %dma_wait3A_284 = tpu.memref_squeeze %dma_wait3A_283 : memref<1x216xf32, #tpu.memory_space<hbm>> -> memref<216xf32, #tpu.memory_space<hbm>>
    tpu.wait_dma2 semaphore(%arg16 : memref<!tpu.dma_semaphore, #tpu.memory_space<semaphore_mem>>) src(%arg12 : memref<216xf32, #tpu.memory_space<vmem>>) dst(%dma_wait3A_284 : memref<216xf32, #tpu.memory_space<hbm>>)
    %dma_wait3A_285 = arith.constant 0 : i32
    %dma_wait3A_286 = tpu.memref_slice %arg7[%add3A_152, %dma_wait3A_285] : memref<64x216xf32, #tpu.memory_space<hbm>> -> memref<1x216xf32, #tpu.memory_space<hbm>>
    %dma_wait3A_287 = tpu.memref_squeeze %dma_wait3A_286 : memref<1x216xf32, #tpu.memory_space<hbm>> -> memref<216xf32, #tpu.memory_space<hbm>>
    %dma_wait3A_288 = arith.constant 0 : i32
    %dma_wait3A_289 = tpu.memref_slice %arg7[%add3A_152, %dma_wait3A_288] : memref<64x216xf32, #tpu.memory_space<hbm>> -> memref<1x216xf32, #tpu.memory_space<hbm>>
    %dma_wait3A_290 = tpu.memref_squeeze %dma_wait3A_289 : memref<1x216xf32, #tpu.memory_space<hbm>> -> memref<216xf32, #tpu.memory_space<hbm>>
    tpu.wait_dma2 semaphore(%arg16 : memref<!tpu.dma_semaphore, #tpu.memory_space<semaphore_mem>>) src(%arg13 : memref<216xf32, #tpu.memory_space<vmem>>) dst(%dma_wait3A_290 : memref<216xf32, #tpu.memory_space<hbm>>)
    %dma_wait3A_291 = arith.constant 0 : i32
    %dma_wait3A_292 = tpu.memref_slice %arg7[%add3A_219, %dma_wait3A_291] : memref<64x216xf32, #tpu.memory_space<hbm>> -> memref<1x216xf32, #tpu.memory_space<hbm>>
    %dma_wait3A_293 = tpu.memref_squeeze %dma_wait3A_292 : memref<1x216xf32, #tpu.memory_space<hbm>> -> memref<216xf32, #tpu.memory_space<hbm>>
    %dma_wait3A_294 = arith.constant 0 : i32
    %dma_wait3A_295 = tpu.memref_slice %arg7[%add3A_219, %dma_wait3A_294] : memref<64x216xf32, #tpu.memory_space<hbm>> -> memref<1x216xf32, #tpu.memory_space<hbm>>
    %dma_wait3A_296 = tpu.memref_squeeze %dma_wait3A_295 : memref<1x216xf32, #tpu.memory_space<hbm>> -> memref<216xf32, #tpu.memory_space<hbm>>
    tpu.wait_dma2 semaphore(%arg16 : memref<!tpu.dma_semaphore, #tpu.memory_space<semaphore_mem>>) src(%arg14 : memref<216xf32, #tpu.memory_space<vmem>>) dst(%dma_wait3A_296 : memref<216xf32, #tpu.memory_space<hbm>>)
    return
  }
}

</mosaic_0001>

<sc_bundles>
// kernel: _sc_call.3.cloned.1.call-start
scs
__scs_entry_jumppad:
0x0: {  	(pc) =	sbr.rel $0x88, $3  }
0x1: {  	(tag) =	ssettag $0x0;
	lr =	simm.s32 $0x1  }
0x2: {  	[smem:$0x3F9D] =	sst lr;
	_ =	strace $0xD0000000  }
0x3: {  	_ = 	snop  }
0x4: {  	_ = 	snop  }
0x5: {  	_ = 	snop  }
0x6: {  	_ = 	snop  }
0x7: {  	_ = 	snop  }
__scs_overlays_trampoline_lowered:
0x8: {  	[smem:$0x3FAC] =	sst s0  }
0x9: {  	[smem:$0x3FAD] =	sst s1  }
0xa: {  	[smem:$0x3FAE] =	sst s2  }
0xb: {  	[smem:$0x3FAF] =	sst s3  }
0xc: {  	[smem:$0x3FB0] =	sst s4  }
0xd: {  	[smem:$0x3FB1] =	sst s5  }
0xe: {  	[smem:$0x3FB2] =	sst s6  }
0xf: {  	[smem:$0x3FB3] =	sst s7  }
0x10: {  	[smem:$0x3FB4] =	sst s8  }
0x11: {  	[smem:$0x3FB5] =	sst s9;
	s0 =	simm.s32 @!p0 $0x0  }
0x12: {  	s1 =	sld [smem:$0x3F9B];
	s0 =	simm.s32 @p0 $0x1  }
0x13: {  	[smem:$0x3FB6] =	sst s0;
	s0 =	simm.s32 @!p1 $0x0  }
0x14: {  	s2 =	sld [smem:$0x3F9A];
	s0 =	simm.s32 @p1 $0x1  }
0x15: {  	[smem:$0x3FB7] =	sst s0;
	s0 =	simm.s32 @!p2 $0x0  }
0x16: {  	s3 =	sld [smem:$0x3FDB];
	s0 =	simm.s32 @p2 $0x1  }
0x17: {  	s4 =	simm.s32 $0x1BF5;
	[smem:$0x3FB9] =	sst s0  }
0x18: {  	s0 =	sld [smem:$0x3F9C];
	_ =	swait.ge [sflag:s4], $0x0  }
0x19: {  	s7 =	sld [smem:$0x3F9D]  }
0x1a: {  	s8 =	sadd.s32 $0xFFFFE003, lr  }
0x1b: {  	s9 =	sadd.s32 $0xFFFFFEF7, lr;
	s5 =	simm.s32 $0xFFFFFFFF;
	p2 =	slt.u32 s8, $0xFFFFF086  }
0x1c: {  	p1 =	slt.u32 s9, $0xF7A;
	s5 =	simm.s32 @!p2 $0x0  }
0x1d: {  	s5 =	simm.s32 @p1 $0x1;
	p0 =	seq.s32 s7, s2  }
0x1e: {  	s7 =	smul.u32 @!p0 $0xF7A, s2;
	p2 =	seq.s32 @!p0 s5, $0x0  }
0x1f: {  	s9 =	smul.u32 $0xF7A, s1;
	s8 =	simm.s32 @!p0 $0x1BF5;
	p2 =	por !p2, p0  }
0x20: {  	[sflag:s8] =	ssyncset.s32 @!p0 $0xFFFFF086;
	s6 =	sadd.s32 @!p0 s3, s7;
	s7 =	simm.s32 @!p0 $0x108  }
0x21: {  	s3 =	sadd.s32 s3, s9;
	s6 =	sadd.s32 @!p0 $0x88, s6;
	s7 =	simm.s32 @p2 $0x1082  }
0x22: {  	[simem:s7], [sflag:s8] =	dma.local @!p0 [hbm:s6], $0xF7A  }
0x23: {  	s9 =	sor.u32 $0xD0000000, s2;
	s6 =	simm.s32 $0x108;
	_ =	swait.ge @!p0 [sflag:s8], $0x0  }
0x24: {  	s3 =	sadd.s32 $0x88, s3;
	s6 =	simm.s32 @!p1 $0x1082;
	[sflag:s4] =	ssyncset.s32 $0xFFFFF086  }
0x25: {  	[simem:s6], [sflag:s4] =	dma.local [hbm:s3], $0xF7A  }
0x26: {  	[smem:$0x3F9D] =	sst s1;
	(tag) =	ssettag s2;
	_ =	strace s9  }
0x27: {  	s1 =	sld [smem:$0x3FAD]  }
0x28: {  	s2 =	sld [smem:$0x3FAE]  }
0x29: {  	s4 =	sld [smem:$0x3FB0]  }
0x2a: {  	p0 =	seq.s32 s5, $0x0;
	s5 =	sld [smem:$0x3FB1]  }
0x2b: {  	s6 =	sld [smem:$0x3FB2]  }
0x2c: {  	s7 =	sld [smem:$0x3FB3]  }
0x2d: {  	s3 =	simm.s32 $0x108;
	s8 =	sld [smem:$0x3FB4]  }
0x2e: {  	s3 =	simm.s32 @!p0 $0x1082;
	s9 =	sld [smem:$0x3FB5]  }
0x2f: {  	lr =	sadd.s32 s0, s3;
	s0 =	sld [smem:$0x3FAC]  }
0x30: {  	s3 =	sld [smem:$0x3FAF]  }
0x31: {  	[smem:$0x3FB8] =	sst s10  }
0x32: {  	s10 =	sld [smem:$0x3FB6];
	_ =	sdelay $0x3  }
0x33: {  	p0 =	seq.s32 s10, $0x1;
	s10 =	sld [smem:$0x3FB8];
	_ =	sdelay $0x3  }
0x34: {  	[smem:$0x3FB8] =	sst s10  }
0x35: {  	s10 =	sld [smem:$0x3FB7];
	_ =	sdelay $0x3  }
0x36: {  	p1 =	seq.s32 s10, $0x1;
	s10 =	sld [smem:$0x3FB8];
	_ =	sdelay $0x3  }
0x37: {  	[smem:$0x3FB8] =	sst s10  }
0x38: {  	s10 =	sld [smem:$0x3FB9]  }
0x39: {  	_ = 	snop;
	(pc) =	sbr.ind lr, $3  }
0x3a: {  	_ = 	snop  }
0x3b: {  	_ = 	snop  }
0x3c: {  	p2 =	seq.s32 s10, $0x1;
	s10 =	sld [smem:$0x3FB8]  }
0x3d: {  	_ =	shalt  }
0x3e: {  	_ =	shalt  }
0x3f: {  	_ =	shalt  }
0x40: {  	_ =	shalt  }
0x41: {  	_ =	shalt  }
0x42: {  	_ =	shalt  }
0x43: {  	_ =	shalt  }
0x44: {  	_ =	shalt  }
0x45: {  	_ =	shalt  }
0x46: {  	_ =	shalt  }
0x47: {  	_ =	shalt  }
0x48: {  	_ =	shalt  }
0x49: {  	_ =	shalt  }
0x4a: {  	_ =	shalt  }
0x4b: {  	_ =	shalt  }
0x4c: {  	_ =	shalt  }
0x4d: {  	_ =	shalt  }
0x4e: {  	_ =	shalt  }
0x4f: {  	_ =	shalt  }
0x50: {  	_ =	shalt  }
0x51: {  	_ =	shalt  }
0x52: {  	_ =	shalt  }
0x53: {  	_ =	shalt  }
0x54: {  	_ =	shalt  }
0x55: {  	_ =	shalt  }
0x56: {  	_ =	shalt  }
0x57: {  	_ =	shalt  }
0x58: {  	_ =	shalt  }
0x59: {  	_ =	shalt  }
0x5a: {  	_ =	shalt  }
0x5b: {  	_ =	shalt  }
0x5c: {  	_ =	shalt  }
0x5d: {  	_ =	shalt  }
0x5e: {  	_ =	shalt  }
0x5f: {  	_ =	shalt  }
0x60: {  	_ =	shalt  }
0x61: {  	_ =	shalt  }
0x62: {  	_ =	shalt  }
0x63: {  	_ =	shalt  }
0x64: {  	_ =	shalt  }
0x65: {  	_ =	shalt  }
0x66: {  	_ =	shalt  }
0x67: {  	_ =	shalt  }
0x68: {  	_ =	shalt  }
0x69: {  	_ =	shalt  }
0x6a: {  	_ =	shalt  }
0x6b: {  	_ =	shalt  }
0x6c: {  	_ =	shalt  }
0x6d: {  	_ =	shalt  }
0x6e: {  	_ =	shalt  }
0x6f: {  	_ =	shalt  }
0x70: {  	_ =	shalt  }
0x71: {  	_ =	shalt  }
0x72: {  	_ =	shalt  }
0x73: {  	_ =	shalt  }
0x74: {  	_ =	shalt  }
0x75: {  	_ =	shalt  }
0x76: {  	_ =	shalt  }
0x77: {  	_ =	shalt  }
0x78: {  	_ =	shalt  }
0x79: {  	_ =	shalt  }
0x7a: {  	_ =	shalt  }
0x7b: {  	_ =	shalt  }
0x7c: {  	_ =	shalt  }
0x7d: {  	_ =	shalt  }
0x7e: {  	_ =	shalt  }
0x7f: {  	_ =	shalt  }
0x80: {  	_ =	shalt  }
0x81: {  	_ =	shalt  }
0x82: {  	_ =	shalt  }
0x83: {  	_ =	shalt  }
0x84: {  	_ =	shalt  }
0x85: {  	_ =	shalt  }
0x86: {  	_ =	shalt  }
0x87: {  	_ =	shalt  }
.Lfunc_end0:
.L_simem_size_0:
called_computation_lowered:
.L_overlay_start_0:
0x88: {  	s2 =	sld [smem:$0x3FD9]  }
0x89: {  	s3 =	sld [smem:$0x3FFE];
	_ =	sdelay $0x1  }
0x8a: {  	s1 =	srdreg.scid  }
0x8b: {  	s0 =	sand.u32 $0x1, s1  }
0x8c: {  	s15 =	sshll.u32 s0, $0xA;
	s2 =	sadd.s32 s3, s2  }
0x8d: {  	s2 =	sadd.s32 s2, s15  }
0x8e: {  	[smem:$0x3FC4] =	sst s2  }
0x8f: {  	_ = 	snop  }
0x90: {  	s2 =	sld [smem:$0x3FC9]  }
0x91: {  	s16 =	sld [smem:$0x3FD0]  }
0x92: {  	s4 =	sld [smem:$0x3FC8]  }
0x93: {  	s5 =	sld [smem:$0x3FC7]  }
0x94: {  	s7 =	simm.s32 $0xA;
	s8 =	simm.s32 $0x10;
	s6 =	sld [smem:$0x3FC6]  }
0x95: {  	[smem:s8], [sflag:s7] =	dma.local [hbm:s16], $0x1  }
0x96: {  	_ =	swait.eq [sflag:s7], $0x1  }
0x97: {  	[sflag:s7] =	ssyncset.done $0x0  }
0x98: {  	s17 =	sld [smem:$0x10];
	[sflag:s7] =	ssyncadd.s32 $0xFFFFFFFF  }
0x99: {  	s18 =	sld [smem:$0x11];
	(tm) =	ssettm $0x1  }
0x9a: {  	s19 =	sld [smem:$0x3FFB];
	_ =	sdelay $0x3  }
0x9b: {  	_ =	strace s19  }
0x9c: {  	s8 =	sld [smem:$0x3FFC];
	_ =	sdelay $0x3  }
0x9d: {  	_ =	strace s8  }
0x9e: {  	s8 =	sld [smem:$0x3FFD];
	_ =	sdelay $0x3  }
0x9f: {  	_ =	strace s8  }
0xa0: {  	_ =	strace $0x8FFFFFFF  }
0xa1: {  	s20 =	sld [smem:$0x3FDB];
	_ =	sdelay $0x1  }
0xa2: {  	s9 =	simm.s32 $_scs_section_size  }
0xa3: {  	s10 =	simm.s32 $_size__tile_overlayer_lowered;
	s11 =	simm.s32 $_tile_overlayer_lowered  }
0xa4: {  	s23 =	simm.s32 $0x1BFF;
	s22 =	sshll.u32 s11, $0x1;
	s8 =	sadd.s32 s9, s20  }
0xa5: {  	s12 =	simm.s32 $0x0;
	s21 =	sshll.u32 s10, $0x1;
	s10 =	sadd.s32 s22, s8  }
0xa6: {  	[timem:s12], [sflag:s23] =	dma.local [hbm:s10], s21  }
0xa7: {  	_ =	swait.ge [sflag:s23], s21  }
0xa8: {  	s9 =	ssub.s32 $0x0, s21;
	[sflag:s23] =	ssyncset.done $0x0  }
0xa9: {  	[sflag:s23] =	ssyncadd.s32 s9;
	_ =	sdelay $0x1  }
0xaa: {  	s24 =	simm.s32 $0x1B8B  }
0xab: {  	_ =	swait.ge [sflag:s24], $0x1  }
0xac: {  	[sflag:s24] =	ssyncset.done $0x0  }
0xad: {  	s25 =	simm.s32 $0x1B8E;
	[sflag:s24] =	ssyncadd.s32 $0xFFFFFFFF  }
0xae: {  	s26 =	simm.s32 $execute0_lowered;
	[smem:$0x3FD2] =	sst s25  }
0xaf: {  	s9 =	sshll.u32 s26, $0x1;
	_ =	strace $0x80000046;
	[dreg:$0x1] =	wrdreg $0xFFFFFFFF  }
0xb0: {  	s28 =	simm.s32 $_size_execute0_lowered;
	s8 =	sadd.s32 s8, s9;
	[dreg:$0x0] =	wrdreg $0x0  }
0xb1: {  	s9 =	sshll.u32 s28, $0x1;
	[dreg:$0x2] =	wrdreg s8  }
0xb2: {  	[dreg:$0x3] =	wrdreg s9  }
0xb3: {  	[dreg:$0x4] =	wrdreg $0xC0  }
0xb4: {  	_ =	task [dreg:s12], $0x5FFFF  }
0xb5: {  	[dreg:$0x1] =	wrdreg $0xFFFFFFFF  }
0xb6: {  	[dreg:$0x0] =	wrdreg $0x60  }
0xb7: {  	[dreg:$0x2] =	wrdreg s2  }
0xb8: {  	[dreg:$0x3] =	wrdreg s4  }
0xb9: {  	[dreg:$0x4] =	wrdreg s5  }
0xba: {  	[dreg:$0x5] =	wrdreg s6  }
0xbb: {  	[dreg:$0x6] =	wrdreg s17  }
0xbc: {  	[dreg:$0x7] =	wrdreg s18  }
0xbd: {  	[dreg:$0x8] =	wrdreg $0x9  }
0xbe: {  	_ =	task.clear_ibuf [dreg:s12], $0x9FFFF;
	_ =	strace $0x90000046  }
0xbf: {  	s29 =	simm.s32 $0x9;
	_ =	strace $0x80000048  }
0xc0: {  	_ =	swait.ge [sflag:s29], $0x1  }
0xc1: {  	[sflag:s29] =	ssyncadd.s32 $0xFFFFFFFF  }
0xc2: {  	_ =	strace $0x90000048  }
0xc3: {  	_ =	sfence  }
0xc4: {  	s30 =	sld [smem:$0x0];
	_ =	sdelay $0x2  }
0xc5: {  	s31 =	sshll.u32 s1, $0xD;
	s1 =	sshrl.u32 s1, $0x2  }
0xc6: {  	s3 =	sand.u32 $0x4000, s31;
	s1 =	sadd.s32 s1, s30  }
0xc7: {  	s0 =	sor.u32 s3, s0;
	s1 =	sshll.u32 s1, $0x11  }
0xc8: {  	s0 =	sor.u32 s1, s0  }
0xc9: {  	s0 =	sadd.s32 $0x8F2B, s0  }
0xca: {  	[sflag:s0] =	ssyncadd.remote.s32 $0x1  }
0xcb: {  	_ =	sfence.sel $0xFFFF  }
0xcc: {  	[dreg:$0x0] =	wrdreg $0xFFFFFFFF;
	(pc) =	sbr.abs _section_cstart, $3  }
0xcd: {  	[dreg:$0x1] =	wrdreg $0xFFFFFFFF  }
0xce: {  	_ =	task.clear_ibuf [dreg:s12], $0x2FFFF;
	_ =	strace $0x9FFFFFFF  }
0xcf: {  	(tm) =	ssettm $0x7FFFFFFF  }
tec
execute0_lowered:
.L_overlay_start_1:
0x0: {  	(tag) =	ssettag $0x1  }
0x1: {  	s0 =	rddreg [dreg:$0x0]  }
0x2: {  	s10 =	rddreg [dreg:$0x1]  }
0x3: {  	s1 =	rddreg [dreg:$0x2]  }
0x4: {  	s2 =	rddreg [dreg:$0x3]  }
0x5: {  	s9 =	rddreg [dreg:$0x4]  }
0x6: {  	s12 =	rddreg [dreg:$0x5]  }
0x7: {  	s4 =	srdreg.scid;
	s3 =	stileid.u32;
	s18 =	simm.s32 $0x1BF00  }
0x8: {  	s19 =	simm.s32 $0x1;
	s20 =	simm.s32 $0x1BF80;
	s21 =	simm.s32 $0x1C080  }
0x9: {  	s22 =	simm.s32 $0x1C180;
	s23 =	simm.s32 $0x1C280;
	s24 =	simm.s32 $0x2  }
0xa: {  	s25 =	simm.s32 $0x0;
	s5 =	sand.u32 $0x1, s4;
	s4 =	simm.s32 $0x0  }
0xb: {  	s6 =	sshll.u32 s3, $0x2;
	s26 =	sshrl.u32 s3, $0x1;
	s7 =	sshll.u32 s5, $0x1  }
0xc: {  	[smem:$0x7FF] =	sst s4;
	s11 =	smul.u32 $0xC3800, s26;
	s5 =	ssub.s32 $0x2, s5  }
0xd: {  	s6 =	sor.u32 s7, s6;
	_ =	strace $0x80000047;
	s14 =	sshrl.u32 s5, $0x1  }
0xe: {  	s7 =	sshll.u32 s26, $0xB;
	s8 =	sshll.u32 s6, $0x7;
	s13 =	sor.u32 $0x1, s6  }
0xf: {  	s14 =	ssub.s32 s5, s14;
	s17 =	scvt.s32.f32 s6;
	s8 =	sand.u32 $0x300, s8  }
0x10: {  	s16 =	sshll.u32 s13, $0x7;
	s30 =	scvt.s32.f32 s13;
	s13 =	smax.u32 s14, $0x1  }
0x11: {  	s14 =	simm.s32 $0x80;
	s15 =	sor.u32 s11, s8;
	s16 =	sand.u32 $0x380, s16  }
0x12: {  	s8 =	sor.u32 s7, s8;
	v0 =	vmov s17;
	s17 =	simm.s32 $0x3;
	s15 =	sshrl.u32 s15, $0x3  }
0x13: {  	s11 =	sor.u32 s11, s16;
	s28 =	sshrl.u32 s8, $0x3;
	s29 =	sor.u32 s7, s16  }
0x14: {  	v1 =	vmov s30;
	s16 =	simm.s32 $0x18700;
	s5 =	sadd.s32 s0, s15;
	s11 =	sshrl.u32 s11, $0x3  }
0x15: {  	v0 =	vmul.f32 $1.562500000e-02, v0;
	s7 =	sadd.s32 s9, s28;
	s31 =	sshrl.u32 s29, $0x3;
	s8 =	sadd.s32 s10, s15;
	v1 =	vmul.f32 $1.562500000e-02, v1  }
0x16: {  	vm0 =	vmmov $0x1;
	s15 =	simm.s32 $0x400;
	s6 =	sadd.s32 s0, s11;
	s9 =	sadd.s32 s9, s31  }
0x17: {  	v2 =	vimm.f32 $0.0e+00;
	s10 =	sadd.s32 s10, s11;
	s11 =	sadd.s32 s12, s28;
	s12 =	sadd.s32 s12, s31;
	v0 =	vbroadcast v0, $0x0;
	v1 =	vbroadcast v1, $0x0  }
.LBB2_1:
0x18: {  	[tilespmem:s4], [sflag:$0x1] =	stream.strided.gather [hbm4b:s5+s14], $0x18700, s15, s14, $0x38;
	[tilespmem:$0x1C380] =	vst v63  }
0x19: {  	_ = 	snop  }
0x1a: {  	[tilespmem:s16], [sflag:$0x3] =	stream.linear.gather [hbm4b:s1+s4], $0x3800, $0x38;
	[tilespmem:$0x1C380] =	vst v63  }
0x1b: {  	_ =	swait.ge [sflag:s17], $0x3800  }
0x1c: {  	[sflag:s17] =	ssyncset.done $0x0  }
0x1d: {  	[sflag:s17] =	ssyncadd.s32 $0xFFFFC800  }
0x1e: {  	[tilespmem:s18], [sflag:$0x3] =	stream.linear.gather [hbm4b:s2+s4], $0x80, $0x38;
	[tilespmem:$0x1C380] =	vst v63  }
0x1f: {  	_ =	swait.ge [sflag:s17], $0x80  }
0x20: {  	[sflag:s17] =	ssyncset.done $0x0  }
0x21: {  	[sflag:s17] =	ssyncadd.s32 $0xFFFFFF80  }
0x22: {  	_ =	swait.ge [sflag:s19], $0x18700  }
0x23: {  	s0 =	sand.u32 $0x3800, s4;
	s26 =	sand.u32 $0x380, s4;
	[sflag:s19] =	ssyncset.done $0x0  }
0x24: {  	s0 =	sor.u32 s26, s0;
	[sflag:s19] =	ssyncadd.s32 $0xFFFE7900  }
0x25: {  	s26 =	sadd.s32 $0x18700, s0;
	v3 =	vld [tilespmem:s0+$0x18700]  }
0x26: {  	v4 =	vld [tilespmem:s26+$0x10]  }
0x27: {  	v5 =	vld [tilespmem:s26+$0x20]  }
0x28: {  	v6 =	vld [tilespmem:s26+$0x30]  }
0x29: {  	v7 =	vld [tilespmem:s26+$0x40]  }
0x2a: {  	v8 =	vld [tilespmem:s26+$0x50]  }
0x2b: {  	v9 =	vld [tilespmem:s26+$0x60]  }
0x2c: {  	v10 =	vld [tilespmem:s26+$0x70]  }
0x2d: {  	v12 =	vmov s4;
	v11 =	vld [tilespmem:s26+$0x400]  }
0x2e: {  	v13 =	vld [tilespmem:s26+$0x410]  }
0x2f: {  	v14 =	vld [tilespmem:s26+$0x420]  }
0x30: {  	s3 =	scvt.s32.f32 s4;
	v15 =	vld [tilespmem:s26+$0x430]  }
0x31: {  	s28 =	simm.s32 $0x100;
	v16 =	vld [tilespmem:s26+$0x438];
	s26 =	simm.s32 $0x80  }
0x32: {  	v17 =	vmov s3;
	s3 =	sand.u32 $0x3800, s28;
	v12 =	vld.idx.msk [tilespmem:v12+s18+$0x0], $0xffff;
	s29 =	sand.u32 $0x380, s26  }
0x33: {  	s0 =	sor.u32 s29, s3;
	v21 =	vld.idx.msk [tilespmem:v3+s4+$0x0], $0xffff;
	v3 =	vmul.f32 $1.999999960e-02, v17  }
0x34: {  	s31 =	sadd.s32 $0x18700, s0  }
0x35: {  	v18 =	vld [tilespmem:s31+$0x10];
	v17 =	vadd.f32 v3, v3  }
0x36: {  	v4 =	vld.idx.msk [tilespmem:v4+s4+$0x0], $0xffff  }
0x37: {  	v5 =	vld.idx.msk [tilespmem:v5+s4+$0x0], $0xffff;
	v17 =	vbroadcast v17, $0x0  }
0x38: {  	v6 =	vld.idx.msk [tilespmem:v6+s4+$0x0], $0xffff  }
0x39: {  	v7 =	vld.idx.msk [tilespmem:v7+s4+$0x0], $0xffff;
	v3 =	vbroadcast v3, $0x0;
	v17 =	vadd.f32 $-1.000000000e+00, v17  }
0x3a: {  	v8 =	vld.idx.msk [tilespmem:v8+s4+$0x0], $0xffff  }
0x3b: {  	v12 =	vld.idx.msk [tilespmem:v12+s4+$0x0], $0xffff;
	v3 =	vsub.f32 $1.000000000e+00, v3;
	v17 =	vmul.f32 v17, v0  }
0x3c: {  	v10 =	vld.idx.msk [tilespmem:v10+s4+$0x0], $0xffff  }
0x3d: {  	v13 =	vld.idx.msk [tilespmem:v13+s4+$0x0], $0xffff;
	v25 =	vadd.f32 v17, v3  }
0x3e: {  	v14 =	vld.idx.msk [tilespmem:v14+s4+$0x0], $0xffff  }
0x3f: {  	v15 =	vld.idx.msk [tilespmem:v15+s4+$0x0], $0xffff;
	v4 =	vmul.f32 v4, v25  }
0x40: {  	v16 =	vld.idx.msk [tilespmem:v16+s4+$0x0], $0xffff;
	v3 =	vmul.f32 v12, v25;
	v5 =	vmul.f32 v5, v25  }
0x41: {  	v9 =	vld.idx.msk [tilespmem:v9+s4+$0x0], $0xffff;
	v6 =	vmul.f32 v6, v25;
	v12 =	vmul.f32 v7, v25  }
0x42: {  	v11 =	vld.idx.msk [tilespmem:v11+s4+$0x0], $0xffff;
	v26 =	vmul.f32 v8, v25;
	v29 =	vmul.f32 v10, v25  }
0x43: {  	v20 =	vld [tilespmem:s31+$0x20];
	v30 =	vmul.f32 v13, v25;
	v14 =	vmul.f32 v14, v25  }
0x44: {  	v22 =	vld [tilespmem:s31+$0x30];
	v19 =	vmul.f32 v15, v25;
	v28 =	vmul.f32 v21, v25  }
0x45: {  	v23 =	vld [tilespmem:s31+$0x40];
	v21 =	vmul.f32 v16, v25;
	v15 =	vimm.f32 $0.0e+00;
	v3 =	vadd.f32 v3, v2  }
0x46: {  	v24 =	vld [tilespmem:s31+$0x50];
	v7 =	vadd.f32 v4, v2;
	v4 =	vmul.f32 v9, v25;
	v8 =	vadd.f32 v5, v2  }
0x47: {  	v27 =	vld [tilespmem:s31+$0x60];
	v5 =	vmul.f32 v11, v25;
	v10 =	vadd.f32 v6, v2;
	v12 =	vadd.f32 v12, v2  }
0x48: {  	s29 =	simm.s32 $0x1;
	v17 =	vld [tilespmem:s0+$0x18700];
	v16 =	vimm.f32 $0.0e+00;
	v13 =	vadd.f32 v26, v2;
	v11 =	vadd.f32 v29, v2  }
0x49: {  	v25 =	vld [tilespmem:s31+$0x70];
	v29 =	vmov s29;
	v9 =	vadd.f32 v4, v2;
	v6 =	vadd.f32 v5, v2  }
0x4a: {  	s30 =	simm.s32 $0x2;
	v26 =	vld [tilespmem:s31+$0x400];
	v5 =	vadd.f32 v30, v2;
	v4 =	vadd.f32 v14, v2;
	v14 =	vimm.f32 $0.0e+00  }
.LBB2_2:
0x4b: {  	p0 =	sne.s32 s30, $0x31;
	v30 =	vld [tilespmem:s31+$0x410];
	v15 =	vadd.f32 v19, v15;
	v14 =	vadd.f32 v21, v14  }
0x4c: {  	v16 =	vadd.f32 v28, v16;
	v19 =	vld [tilespmem:s31+$0x420]  }
0x4d: {  	v21 =	vld [tilespmem:s31+$0x430]  }
0x4e: {  	s0 =	scvt.s32.f32 s29;
	s29 =	smov.u32 s30;
	v28 =	vld [tilespmem:s31+$0x438]  }
0x4f: {  	v29 =	vld.idx.msk [tilespmem:v29+s18+$0x0], $0xffff  }
0x50: {  	v31 =	vmov s0;
	v32 =	vld.idx.msk [tilespmem:v17+s4+$0x0], $0xffff  }
0x51: {  	v17 =	vmul.f32 $1.999999960e-02, v31;
	v18 =	vld.idx.msk [tilespmem:v18+s4+$0x0], $0xffff  }
0x52: {  	v20 =	vld.idx.msk [tilespmem:v20+s4+$0x0], $0xffff  }
0x53: {  	v31 =	vadd.f32 v17, v17;
	v22 =	vld.idx.msk [tilespmem:v22+s4+$0x0], $0xffff  }
0x54: {  	v23 =	vld.idx.msk [tilespmem:v23+s4+$0x0], $0xffff  }
0x55: {  	v31 =	vbroadcast v31, $0x0;
	v24 =	vld.idx.msk [tilespmem:v24+s4+$0x0], $0xffff  }
0x56: {  	v27 =	vld.idx.msk [tilespmem:v27+s4+$0x0], $0xffff  }
0x57: {  	v17 =	vbroadcast v17, $0x0;
	v31 =	vadd.f32 $-1.000000000e+00, v31;
	v29 =	vld.idx.msk [tilespmem:v29+s4+$0x0], $0xffff  }
0x58: {  	v25 =	vld.idx.msk [tilespmem:v25+s4+$0x0], $0xffff  }
0x59: {  	v17 =	vsub.f32 $1.000000000e+00, v17;
	v31 =	vmul.f32 v31, v0;
	v26 =	vld.idx.msk [tilespmem:v26+s4+$0x0], $0xffff  }
0x5a: {  	v30 =	vld.idx.msk [tilespmem:v30+s4+$0x0], $0xffff  }
0x5b: {  	s26 =	sadd.s32 $0x80, s26;
	s28 =	sadd.s32 $0x100, s28;
	v31 =	vadd.f32 v31, v17;
	v19 =	vld.idx.msk [tilespmem:v19+s4+$0x0], $0xffff  }
0x5c: {  	s0 =	sand.u32 $0x3800, s28;
	s31 =	sand.u32 $0x380, s26;
	v21 =	vld.idx.msk [tilespmem:v21+s4+$0x0], $0xffff  }
0x5d: {  	s0 =	sor.u32 s31, s0;
	v33 =	vmul.f32 v18, v31;
	v34 =	vld.idx.msk [tilespmem:v28+s4+$0x0], $0xffff;
	v28 =	vmul.f32 v29, v31  }
0x5e: {  	s31 =	sadd.s32 $0x18700, s0;
	v35 =	vmul.f32 v22, v31;
	v29 =	vmul.f32 v20, v31;
	v17 =	vld [tilespmem:s0+$0x18700]  }
0x5f: {  	v36 =	vmul.f32 v23, v31;
	v37 =	vmul.f32 v24, v31;
	v18 =	vld [tilespmem:s31+$0x10];
	v3 =	vadd.f32 v28, v3  }
0x60: {  	v38 =	vmul.f32 v25, v31;
	v7 =	vadd.f32 v33, v7;
	v33 =	vmul.f32 v27, v31;
	v20 =	vld [tilespmem:s31+$0x20]  }
0x61: {  	v26 =	vmul.f32 v26, v31;
	v8 =	vadd.f32 v29, v8;
	v30 =	vmul.f32 v30, v31;
	v22 =	vld [tilespmem:s31+$0x30]  }
.Ltmp0:
0x62: {  	v10 =	vadd.f32 v35, v10;
	v35 =	vmul.f32 v19, v31;
	v19 =	vmul.f32 v21, v31;
	v23 =	vld [tilespmem:s31+$0x40];
	(pc) =	sbr.rel @p0 .LBB2_2-.Ltmp0, $4  }
0x63: {  	v12 =	vadd.f32 v36, v12;
	v28 =	vmul.f32 v32, v31;
	v21 =	vmul.f32 v34, v31;
	v24 =	vld [tilespmem:s31+$0x50]  }
0x64: {  	v13 =	vadd.f32 v37, v13;
	v9 =	vadd.f32 v33, v9;
	v27 =	vld [tilespmem:s31+$0x60]  }
0x65: {  	v11 =	vadd.f32 v38, v11;
	v6 =	vadd.f32 v26, v6;
	v25 =	vld [tilespmem:s31+$0x70]  }
0x66: {  	s30 =	sadd.s32 $0x1, s30;
	v29 =	vmov s29;
	v5 =	vadd.f32 v30, v5;
	v4 =	vadd.f32 v35, v4;
	v26 =	vld [tilespmem:s31+$0x400]  }
0x67: {  	v30 =	vld [tilespmem:s31+$0x410];
	s0 =	scvt.s32.f32 s29  }
0x68: {  	v31 =	vld [tilespmem:s31+$0x420]  }
0x69: {  	v32 =	vld [tilespmem:s31+$0x430];
	v34 =	vmov s0  }
0x6a: {  	v33 =	vld [tilespmem:s31+$0x438];
	v34 =	vmul.f32 $1.999999960e-02, v34  }
0x6b: {  	v29 =	vld.idx.msk [tilespmem:v29+s18+$0x0], $0xffff  }
0x6c: {  	v17 =	vld.idx.msk [tilespmem:v17+s4+$0x0], $0xffff;
	v35 =	vadd.f32 v34, v34  }
0x6d: {  	v18 =	vld.idx.msk [tilespmem:v18+s4+$0x0], $0xffff  }
0x6e: {  	v20 =	vld.idx.msk [tilespmem:v20+s4+$0x0], $0xffff;
	v35 =	vbroadcast v35, $0x0  }
0x6f: {  	v22 =	vld.idx.msk [tilespmem:v22+s4+$0x0], $0xffff  }
0x70: {  	v23 =	vld.idx.msk [tilespmem:v23+s4+$0x0], $0xffff;
	v34 =	vbroadcast v34, $0x0;
	v35 =	vadd.f32 $-1.000000000e+00, v35  }
0x71: {  	v24 =	vld.idx.msk [tilespmem:v24+s4+$0x0], $0xffff  }
0x72: {  	v27 =	vld.idx.msk [tilespmem:v27+s4+$0x0], $0xffff;
	v34 =	vsub.f32 $1.000000000e+00, v34;
	v35 =	vmul.f32 v35, v0  }
0x73: {  	v25 =	vld.idx.msk [tilespmem:v25+s4+$0x0], $0xffff  }
0x74: {  	v26 =	vld.idx.msk [tilespmem:v26+s4+$0x0], $0xffff;
	v34 =	vadd.f32 v35, v34  }
0x75: {  	v29 =	vld.idx.msk [tilespmem:v29+s4+$0x0], $0xffff  }
0x76: {  	v16 =	vadd.f32 v28, v16;
	v30 =	vld.idx.msk [tilespmem:v30+s4+$0x0], $0xffff;
	v17 =	vmul.f32 v17, v34  }
0x77: {  	v28 =	vld.idx.msk [tilespmem:v31+s4+$0x0], $0xffff;
	v18 =	vmul.f32 v18, v34  }
0x78: {  	s26 =	simm.s32 $0x0;
	v31 =	vld.idx.msk [tilespmem:v32+s4+$0x0], $0xffff;
	v20 =	vmul.f32 v20, v34;
	v16 =	vadd.f32 v17, v16  }
0x79: {  	v22 =	vmul.f32 v22, v34;
	v17 =	vld.idx.msk [tilespmem:v33+s4+$0x0], $0xffff;
	v7 =	vadd.f32 v18, v7;
	[tilespmem:s26], [sflag:$0x1] =	stream.strided.gather [hbm4b:s6+s14], $0x18700, s15, s14, $0x38  }
0x7a: {  	v18 =	vmul.f32 v23, v34;
	v8 =	vadd.f32 v20, v8;
	[tilespmem:$0x1BF80] =	vst v16  }
0x7b: {  	v10 =	vadd.f32 v22, v10;
	v16 =	vmul.f32 v24, v34;
	[tilespmem:$0x1BF90] =	vst v7  }
0x7c: {  	v7 =	vmul.f32 v27, v34;
	v12 =	vadd.f32 v18, v12;
	[tilespmem:$0x1BFA0] =	vst v8  }
0x7d: {  	v8 =	vmul.f32 v25, v34;
	[tilespmem:$0x1BFB0] =	vst v10;
	v13 =	vadd.f32 v16, v13  }
0x7e: {  	v10 =	vmul.f32 v26, v34;
	v7 =	vadd.f32 v7, v9;
	[tilespmem:$0x1BFC0] =	vst v12  }
0x7f: {  	v9 =	vmul.f32 v30, v34;
	v8 =	vadd.f32 v8, v11;
	[tilespmem:$0x1BFD0] =	vst v13  }
0x80: {  	v11 =	vadd.f32 v19, v15;
	v12 =	vmul.f32 v28, v34;
	v6 =	vadd.f32 v10, v6;
	[tilespmem:$0x1BFE0] =	vst v7  }
0x81: {  	v10 =	vmul.f32 v31, v34;
	v7 =	vadd.f32 v21, v14;
	v5 =	vadd.f32 v9, v5;
	[tilespmem:$0x1BFF0] =	vst v8  }
0x82: {  	v8 =	vmul.f32 v29, v34;
	v9 =	vmul.f32 v17, v34;
	v4 =	vadd.f32 v12, v4;
	[tilespmem:$0x1C000] =	vst v6  }
0x83: {  	v6 =	vadd.f32 v10, v11;
	[tilespmem:$0x1C010] =	vst v5  }
0x84: {  	v3 =	vadd.f32 v8, v3;
	v5 =	vadd.f32 v9, v7;
	[tilespmem:$0x1C020] =	vst v4  }
0x85: {  	[tilespmem:$0x1C030] =	vst v6  }
0x86: {  	[tilespmem:$0x1C038] =	vst v5;
	v3 =	vnsel vm0, $0x0, v3  }
0x87: {  	[tilespmem:$0x1C048] =	vst v3  }
0x88: {  	[hbm4b:s7+s14] =	stream.strided.scatter [tilespmem:s20], [sflag:$0x2], $0x100, s15, s14, $0x38;
	[tilespmem:$0x1C380] =	vst v63  }
0x89: {  	_ =	swait.ge [sflag:s19], $0x18700  }
0x8a: {  	s3 =	sand.u32 $0x3800, s26;
	s28 =	sand.u32 $0x380, s26;
	[sflag:s19] =	ssyncset.done $0x0  }
0x8b: {  	s0 =	sor.u32 s28, s3;
	[sflag:s19] =	ssyncadd.s32 $0xFFFE7900  }
0x8c: {  	s28 =	sadd.s32 $0x18700, s0;
	v3 =	vld [tilespmem:s0+$0x18700]  }
0x8d: {  	v4 =	vld [tilespmem:s28+$0x10]  }
0x8e: {  	v5 =	vld [tilespmem:s28+$0x20]  }
0x8f: {  	v6 =	vld [tilespmem:s28+$0x30]  }
0x90: {  	v7 =	vld [tilespmem:s28+$0x40]  }
0x91: {  	v8 =	vld [tilespmem:s28+$0x50]  }
0x92: {  	v9 =	vld [tilespmem:s28+$0x60]  }
0x93: {  	v10 =	vld [tilespmem:s28+$0x70]  }
0x94: {  	v11 =	vld [tilespmem:s28+$0x400]  }
0x95: {  	v12 =	vmov s26;
	v13 =	vld [tilespmem:s28+$0x410]  }
0x96: {  	s26 =	scvt.s32.f32 s26;
	v14 =	vld [tilespmem:s28+$0x420]  }
0x97: {  	v15 =	vld [tilespmem:s28+$0x430]  }
0x98: {  	v17 =	vmov s26;
	s26 =	simm.s32 $0x80;
	v16 =	vld [tilespmem:s28+$0x438];
	s28 =	simm.s32 $0x100  }
0x99: {  	s29 =	sand.u32 $0x380, s26;
	s3 =	sand.u32 $0x3800, s28  }
0x9a: {  	v12 =	vld.idx.msk [tilespmem:v12+s18+$0x0], $0xffff;
	s0 =	sor.u32 s29, s3  }
0x9b: {  	s31 =	sadd.s32 $0x18700, s0;
	v21 =	vld.idx.msk [tilespmem:v3+s4+$0x0], $0xffff;
	v3 =	vmul.f32 $1.999999960e-02, v17  }
0x9c: {  	v18 =	vld [tilespmem:s31+$0x10]  }
0x9d: {  	v20 =	vld [tilespmem:s31+$0x20];
	v17 =	vadd.f32 v3, v3  }
0x9e: {  	v4 =	vld.idx.msk [tilespmem:v4+s4+$0x0], $0xffff  }
0x9f: {  	v5 =	vld.idx.msk [tilespmem:v5+s4+$0x0], $0xffff;
	v17 =	vbroadcast v17, $0x0  }
0xa0: {  	v6 =	vld.idx.msk [tilespmem:v6+s4+$0x0], $0xffff  }
0xa1: {  	v7 =	vld.idx.msk [tilespmem:v7+s4+$0x0], $0xffff;
	v3 =	vbroadcast v3, $0x0;
	v17 =	vadd.f32 $-1.000000000e+00, v17  }
0xa2: {  	v8 =	vld.idx.msk [tilespmem:v8+s4+$0x0], $0xffff  }
0xa3: {  	v12 =	vld.idx.msk [tilespmem:v12+s4+$0x0], $0xffff;
	v3 =	vsub.f32 $1.000000000e+00, v3;
	v17 =	vmul.f32 v17, v1  }
0xa4: {  	v9 =	vld.idx.msk [tilespmem:v9+s4+$0x0], $0xffff  }
0xa5: {  	v10 =	vld.idx.msk [tilespmem:v10+s4+$0x0], $0xffff;
	v25 =	vadd.f32 v17, v3  }
0xa6: {  	v13 =	vld.idx.msk [tilespmem:v13+s4+$0x0], $0xffff  }
0xa7: {  	v14 =	vld.idx.msk [tilespmem:v14+s4+$0x0], $0xffff;
	v19 =	vmul.f32 v4, v25  }
0xa8: {  	v11 =	vld.idx.msk [tilespmem:v11+s4+$0x0], $0xffff;
	v3 =	vmul.f32 v12, v25;
	v5 =	vmul.f32 v5, v25  }
0xa9: {  	s29 =	simm.s32 $0x1;
	v15 =	vld.idx.msk [tilespmem:v15+s4+$0x0], $0xffff;
	v6 =	vmul.f32 v6, v25;
	v7 =	vmul.f32 v7, v25  }
0xaa: {  	v29 =	vmov s29;
	v16 =	vld.idx.msk [tilespmem:v16+s4+$0x0], $0xffff;
	v12 =	vmul.f32 v8, v25;
	v26 =	vmul.f32 v9, v25  }
0xab: {  	v22 =	vld [tilespmem:s31+$0x30];
	v4 =	vimm.f32 $0.0e+00;
	v10 =	vmul.f32 v10, v25;
	v13 =	vmul.f32 v13, v25  }
0xac: {  	v23 =	vld [tilespmem:s31+$0x40];
	v30 =	vmul.f32 v14, v25;
	v28 =	vmul.f32 v21, v25;
	v3 =	vadd.f32 v3, v4  }
0xad: {  	v24 =	vld [tilespmem:s31+$0x50];
	v8 =	vadd.f32 v19, v4;
	v9 =	vadd.f32 v5, v4;
	v5 =	vmul.f32 v11, v25  }
0xae: {  	v27 =	vld [tilespmem:s31+$0x60];
	v11 =	vadd.f32 v6, v4;
	v19 =	vmul.f32 v15, v25;
	v15 =	vadd.f32 v7, v4  }
0xaf: {  	v17 =	vld [tilespmem:s0+$0x18700];
	v21 =	vmul.f32 v16, v25;
	v12 =	vadd.f32 v12, v4;
	v14 =	vadd.f32 v26, v4  }
0xb0: {  	v16 =	vimm.f32 $0.0e+00;
	v10 =	vadd.f32 v10, v4;
	v25 =	vld [tilespmem:s31+$0x70];
	v6 =	vadd.f32 v13, v4  }
0xb1: {  	s30 =	simm.s32 $0x2;
	v26 =	vld [tilespmem:s31+$0x400];
	v13 =	vimm.f32 $0.0e+00;
	v7 =	vadd.f32 v5, v4;
	v5 =	vadd.f32 v30, v4  }
.LBB2_4:
0xb2: {  	p0 =	sne.s32 s30, $0x31;
	v30 =	vld [tilespmem:s31+$0x410];
	v4 =	vadd.f32 v19, v4;
	v13 =	vadd.f32 v21, v13  }
0xb3: {  	v16 =	vadd.f32 v28, v16;
	v19 =	vld [tilespmem:s31+$0x420]  }
0xb4: {  	v21 =	vld [tilespmem:s31+$0x430]  }
0xb5: {  	s0 =	scvt.s32.f32 s29;
	s29 =	smov.u32 s30;
	v28 =	vld [tilespmem:s31+$0x438]  }
0xb6: {  	v29 =	vld.idx.msk [tilespmem:v29+s18+$0x0], $0xffff  }
0xb7: {  	v31 =	vmov s0;
	v32 =	vld.idx.msk [tilespmem:v17+s4+$0x0], $0xffff  }
0xb8: {  	v17 =	vmul.f32 $1.999999960e-02, v31;
	v18 =	vld.idx.msk [tilespmem:v18+s4+$0x0], $0xffff  }
0xb9: {  	v20 =	vld.idx.msk [tilespmem:v20+s4+$0x0], $0xffff  }
0xba: {  	v31 =	vadd.f32 v17, v17;
	v22 =	vld.idx.msk [tilespmem:v22+s4+$0x0], $0xffff  }
0xbb: {  	v23 =	vld.idx.msk [tilespmem:v23+s4+$0x0], $0xffff  }
0xbc: {  	v31 =	vbroadcast v31, $0x0;
	v24 =	vld.idx.msk [tilespmem:v24+s4+$0x0], $0xffff  }
0xbd: {  	v27 =	vld.idx.msk [tilespmem:v27+s4+$0x0], $0xffff  }
0xbe: {  	v17 =	vbroadcast v17, $0x0;
	v31 =	vadd.f32 $-1.000000000e+00, v31;
	v29 =	vld.idx.msk [tilespmem:v29+s4+$0x0], $0xffff  }
0xbf: {  	v25 =	vld.idx.msk [tilespmem:v25+s4+$0x0], $0xffff  }
0xc0: {  	v17 =	vsub.f32 $1.000000000e+00, v17;
	v31 =	vmul.f32 v31, v1;
	v26 =	vld.idx.msk [tilespmem:v26+s4+$0x0], $0xffff  }
0xc1: {  	v30 =	vld.idx.msk [tilespmem:v30+s4+$0x0], $0xffff  }
0xc2: {  	s26 =	sadd.s32 $0x80, s26;
	s28 =	sadd.s32 $0x100, s28;
	v31 =	vadd.f32 v31, v17;
	v19 =	vld.idx.msk [tilespmem:v19+s4+$0x0], $0xffff  }
0xc3: {  	s0 =	sand.u32 $0x3800, s28;
	s31 =	sand.u32 $0x380, s26;
	v21 =	vld.idx.msk [tilespmem:v21+s4+$0x0], $0xffff  }
0xc4: {  	s0 =	sor.u32 s31, s0;
	v33 =	vmul.f32 v18, v31;
	v34 =	vld.idx.msk [tilespmem:v28+s4+$0x0], $0xffff;
	v28 =	vmul.f32 v29, v31  }
0xc5: {  	s31 =	sadd.s32 $0x18700, s0;
	v35 =	vmul.f32 v22, v31;
	v29 =	vmul.f32 v20, v31;
	v17 =	vld [tilespmem:s0+$0x18700]  }
0xc6: {  	v36 =	vmul.f32 v23, v31;
	v37 =	vmul.f32 v24, v31;
	v18 =	vld [tilespmem:s31+$0x10];
	v3 =	vadd.f32 v28, v3  }
0xc7: {  	v38 =	vmul.f32 v25, v31;
	v8 =	vadd.f32 v33, v8;
	v33 =	vmul.f32 v27, v31;
	v20 =	vld [tilespmem:s31+$0x20]  }
0xc8: {  	v26 =	vmul.f32 v26, v31;
	v9 =	vadd.f32 v29, v9;
	v30 =	vmul.f32 v30, v31;
	v22 =	vld [tilespmem:s31+$0x30]  }
.Ltmp1:
0xc9: {  	v11 =	vadd.f32 v35, v11;
	v35 =	vmul.f32 v19, v31;
	v19 =	vmul.f32 v21, v31;
	v23 =	vld [tilespmem:s31+$0x40];
	(pc) =	sbr.rel @p0 .LBB2_4-.Ltmp1, $4  }
0xca: {  	v15 =	vadd.f32 v36, v15;
	v28 =	vmul.f32 v32, v31;
	v21 =	vmul.f32 v34, v31;
	v24 =	vld [tilespmem:s31+$0x50]  }
0xcb: {  	v12 =	vadd.f32 v37, v12;
	v14 =	vadd.f32 v33, v14;
	v27 =	vld [tilespmem:s31+$0x60]  }
0xcc: {  	v10 =	vadd.f32 v38, v10;
	v7 =	vadd.f32 v26, v7;
	v25 =	vld [tilespmem:s31+$0x70]  }
0xcd: {  	s30 =	sadd.s32 $0x1, s30;
	v29 =	vmov s29;
	v6 =	vadd.f32 v30, v6;
	v5 =	vadd.f32 v35, v5;
	v26 =	vld [tilespmem:s31+$0x400]  }
0xce: {  	v30 =	vld [tilespmem:s31+$0x410];
	s0 =	scvt.s32.f32 s29  }
0xcf: {  	v31 =	vld [tilespmem:s31+$0x420]  }
0xd0: {  	v32 =	vld [tilespmem:s31+$0x430];
	v34 =	vmov s0  }
0xd1: {  	v33 =	vld [tilespmem:s31+$0x438];
	v34 =	vmul.f32 $1.999999960e-02, v34  }
0xd2: {  	v29 =	vld.idx.msk [tilespmem:v29+s18+$0x0], $0xffff  }
0xd3: {  	v17 =	vld.idx.msk [tilespmem:v17+s4+$0x0], $0xffff;
	v35 =	vadd.f32 v34, v34  }
0xd4: {  	v18 =	vld.idx.msk [tilespmem:v18+s4+$0x0], $0xffff  }
0xd5: {  	v20 =	vld.idx.msk [tilespmem:v20+s4+$0x0], $0xffff;
	v35 =	vbroadcast v35, $0x0  }
0xd6: {  	v22 =	vld.idx.msk [tilespmem:v22+s4+$0x0], $0xffff  }
0xd7: {  	v23 =	vld.idx.msk [tilespmem:v23+s4+$0x0], $0xffff;
	v34 =	vbroadcast v34, $0x0;
	v35 =	vadd.f32 $-1.000000000e+00, v35  }
0xd8: {  	v24 =	vld.idx.msk [tilespmem:v24+s4+$0x0], $0xffff  }
0xd9: {  	v27 =	vld.idx.msk [tilespmem:v27+s4+$0x0], $0xffff;
	v34 =	vsub.f32 $1.000000000e+00, v34;
	v35 =	vmul.f32 v35, v1  }
0xda: {  	v25 =	vld.idx.msk [tilespmem:v25+s4+$0x0], $0xffff  }
0xdb: {  	v26 =	vld.idx.msk [tilespmem:v26+s4+$0x0], $0xffff;
	v34 =	vadd.f32 v35, v34  }
0xdc: {  	v29 =	vld.idx.msk [tilespmem:v29+s4+$0x0], $0xffff  }
0xdd: {  	v16 =	vadd.f32 v28, v16;
	v30 =	vld.idx.msk [tilespmem:v30+s4+$0x0], $0xffff;
	v17 =	vmul.f32 v17, v34  }
0xde: {  	v62 =	vld.idx.msk [tilespmem:v31+s4+$0x0], $0xffff;
	v18 =	vmul.f32 v18, v34  }
0xdf: {  	s3 =	simm.s32 $0x0;
	v63 =	vld.idx.msk [tilespmem:v32+s4+$0x0], $0xffff;
	v20 =	vmul.f32 v20, v34;
	v16 =	vadd.f32 v17, v16  }
0xe0: {  	v22 =	vmul.f32 v22, v34;
	v17 =	vld.idx.msk [tilespmem:v33+s4+$0x0], $0xffff;
	v8 =	vadd.f32 v18, v8;
	[tilespmem:s3], [sflag:$0x1] =	stream.strided.gather [hbm4b:s8+s14], $0x18700, s15, s14, $0x38  }
0xe1: {  	v18 =	vmul.f32 v23, v34;
	v9 =	vadd.f32 v20, v9;
	[tilespmem:$0x1C080] =	vst v16  }
0xe2: {  	v11 =	vadd.f32 v22, v11;
	v16 =	vmul.f32 v24, v34;
	[tilespmem:$0x1C090] =	vst v8  }
0xe3: {  	v8 =	vmul.f32 v27, v34;
	v15 =	vadd.f32 v18, v15;
	[tilespmem:$0x1C0A0] =	vst v9  }
0xe4: {  	v9 =	vmul.f32 v25, v34;
	[tilespmem:$0x1C0B0] =	vst v11;
	v12 =	vadd.f32 v16, v12  }
0xe5: {  	v11 =	vmul.f32 v26, v34;
	v8 =	vadd.f32 v8, v14;
	[tilespmem:$0x1C0C0] =	vst v15  }
0xe6: {  	v14 =	vmul.f32 v30, v34;
	v9 =	vadd.f32 v9, v10;
	[tilespmem:$0x1C0D0] =	vst v12  }
0xe7: {  	v4 =	vadd.f32 v19, v4;
	v10 =	vmul.f32 v62, v34;
	v7 =	vadd.f32 v11, v7;
	[tilespmem:$0x1C0E0] =	vst v8  }
0xe8: {  	v11 =	vmul.f32 v63, v34;
	v8 =	vadd.f32 v21, v13;
	v6 =	vadd.f32 v14, v6;
	[tilespmem:$0x1C0F0] =	vst v9  }
0xe9: {  	v9 =	vmul.f32 v29, v34;
	v12 =	vmul.f32 v17, v34;
	v5 =	vadd.f32 v10, v5;
	[tilespmem:$0x1C100] =	vst v7  }
0xea: {  	v4 =	vadd.f32 v11, v4;
	[tilespmem:$0x1C110] =	vst v6  }
0xeb: {  	v3 =	vadd.f32 v9, v3;
	v6 =	vadd.f32 v12, v8;
	[tilespmem:$0x1C120] =	vst v5  }
0xec: {  	[tilespmem:$0x1C130] =	vst v4  }
0xed: {  	[tilespmem:$0x1C138] =	vst v6;
	v3 =	vnsel vm0, $0x0, v3  }
0xee: {  	[tilespmem:$0x1C148] =	vst v3  }
0xef: {  	[hbm4b:s9+s14] =	stream.strided.scatter [tilespmem:s21], [sflag:$0x2], $0x100, s15, s14, $0x38;
	[tilespmem:$0x1C380] =	vst v63  }
0xf0: {  	s26 =	sand.u32 $0x3800, s3;
	s28 =	sand.u32 $0x380, s3;
	_ =	swait.ge [sflag:s19], $0x18700  }
0xf1: {  	s26 =	sor.u32 s28, s26;
	[sflag:s19] =	ssyncset.done $0x0  }
0xf2: {  	s28 =	sadd.s32 $0x18700, s26;
	[sflag:s19] =	ssyncadd.s32 $0xFFFE7900  }
0xf3: {  	v3 =	vld [tilespmem:s28+$0x438]  }
0xf4: {  	v4 =	vld [tilespmem:s28+$0x10]  }
0xf5: {  	v5 =	vld [tilespmem:s28+$0x20]  }
0xf6: {  	v6 =	vld [tilespmem:s28+$0x30]  }
0xf7: {  	v7 =	vld [tilespmem:s28+$0x40]  }
0xf8: {  	s0 =	scvt.s32.f32 s3;
	v9 =	vld [tilespmem:s28+$0x50]  }
0xf9: {  	v10 =	vld [tilespmem:s28+$0x60]  }
0xfa: {  	v8 =	vmov s0;
	v11 =	vld [tilespmem:s28+$0x70]  }
0xfb: {  	v8 =	vmul.f32 $1.999999960e-02, v8;
	v13 =	vld [tilespmem:s28+$0x400]  }
0xfc: {  	v14 =	vld [tilespmem:s28+$0x410]  }
0xfd: {  	v12 =	vadd.f32 v8, v8;
	v16 =	vld [tilespmem:s28+$0x420]  }
0xfe: {  	v21 =	vld [tilespmem:s28+$0x430]  }
0xff: {  	v12 =	vbroadcast v12, $0x0;
	v3 =	vld.idx.msk [tilespmem:v3+s4+$0x0], $0xffff  }
0x100: {  	v15 =	vld.idx.msk [tilespmem:v4+s4+$0x0], $0xffff  }
0x101: {  	v8 =	vbroadcast v8, $0x0;
	v12 =	vadd.f32 $-1.000000000e+00, v12;
	v5 =	vld.idx.msk [tilespmem:v5+s4+$0x0], $0xffff  }
0x102: {  	v6 =	vld.idx.msk [tilespmem:v6+s4+$0x0], $0xffff  }
0x103: {  	v4 =	vsub.f32 $1.000000000e+00, v8;
	v8 =	vmul.f32 v12, v0;
	v7 =	vld.idx.msk [tilespmem:v7+s4+$0x0], $0xffff  }
0x104: {  	v18 =	vld.idx.msk [tilespmem:v9+s4+$0x0], $0xffff  }
0x105: {  	v17 =	vld [tilespmem:s26+$0x18700];
	v4 =	vadd.f32 v8, v4  }
0x106: {  	v12 =	vimm.f32 $0.0e+00;
	v23 =	vld.idx.msk [tilespmem:v10+s4+$0x0], $0xffff  }
0x107: {  	v19 =	vld.idx.msk [tilespmem:v13+s4+$0x0], $0xffff;
	v13 =	vimm.f32 $0.0e+00;
	v3 =	vmul.f32 v3, v4;
	v8 =	vmul.f32 v15, v4  }
0x108: {  	v20 =	vld.idx.msk [tilespmem:v14+s4+$0x0], $0xffff;
	v14 =	vimm.f32 $0.0e+00;
	v5 =	vmul.f32 v5, v4;
	v6 =	vmul.f32 v6, v4  }
0x109: {  	v22 =	vld.idx.msk [tilespmem:v11+s4+$0x0], $0xffff;
	v11 =	vimm.f32 $0.0e+00;
	v24 =	vmul.f32 v7, v4;
	v25 =	vmul.f32 v18, v4  }
0x10a: {  	v15 =	vimm.f32 $0.0e+00;
	v7 =	vimm.f32 $0.0e+00;
	v3 =	vadd.f32 v3, v12  }
0x10b: {  	s29 =	simm.s32 $0x100;
	s30 =	simm.s32 $0x2;
	s28 =	simm.s32 $0x80;
	v18 =	vld.idx.msk [tilespmem:v16+s4+$0x0], $0xffff;
	v16 =	vimm.f32 $0.0e+00;
	v10 =	vadd.f32 v8, v12;
	v9 =	vadd.f32 v5, v12  }
0x10c: {  	s31 =	sand.u32 $0x3800, s29;
	s26 =	simm.s32 $0x1;
	s0 =	sand.u32 $0x380, s28;
	v21 =	vld.idx.msk [tilespmem:v21+s4+$0x0], $0xffff;
	v8 =	vadd.f32 v6, v12;
	v6 =	vimm.f32 $0.0e+00;
	v5 =	vimm.f32 $0.0e+00  }
.LBB2_6:
0x10d: {  	p0 =	sne.s32 s30, $0x31;
	s0 =	sor.u32 s0, s31;
	v26 =	vld.idx.msk [tilespmem:v17+s4+$0x0], $0xffff;
	v12 =	vadd.f32 v24, v12;
	v23 =	vmul.f32 v23, v4  }
0x10e: {  	s31 =	scvt.s32.f32 s26;
	v22 =	vmul.f32 v22, v4;
	s26 =	smov.u32 s30;
	s3 =	sadd.s32 $0x18700, s0;
	v17 =	vld [tilespmem:s0+$0x18700];
	v15 =	vadd.f32 v25, v15  }
0x10f: {  	v19 =	vmul.f32 v19, v4;
	v24 =	vld [tilespmem:s3+$0x438];
	v13 =	vadd.f32 v23, v13  }
0x110: {  	v23 =	vmov s31;
	v14 =	vadd.f32 v22, v14;
	v20 =	vmul.f32 v20, v4;
	v25 =	vld [tilespmem:s3+$0x10]  }
0x111: {  	v22 =	vmul.f32 $1.999999960e-02, v23;
	v11 =	vadd.f32 v19, v11;
	v18 =	vmul.f32 v18, v4;
	v23 =	vld [tilespmem:s3+$0x20]  }
0x112: {  	v7 =	vadd.f32 v20, v7;
	v20 =	vmul.f32 v21, v4;
	v19 =	vld [tilespmem:s3+$0x30]  }
0x113: {  	v21 =	vadd.f32 v22, v22;
	v4 =	vmul.f32 v26, v4;
	v6 =	vadd.f32 v18, v6;
	v27 =	vld [tilespmem:s3+$0x40]  }
0x114: {  	v5 =	vadd.f32 v20, v5;
	v18 =	vld [tilespmem:s3+$0x50]  }
0x115: {  	v20 =	vbroadcast v21, $0x0;
	v16 =	vadd.f32 v4, v16;
	v21 =	vld [tilespmem:s3+$0x60]  }
0x116: {  	v26 =	vld [tilespmem:s3+$0x70]  }
0x117: {  	v4 =	vbroadcast v22, $0x0;
	v20 =	vadd.f32 $-1.000000000e+00, v20;
	v22 =	vld.idx.msk [tilespmem:v24+s4+$0x0], $0xffff  }
0x118: {  	v24 =	vld [tilespmem:s3+$0x400]  }
0x119: {  	v4 =	vsub.f32 $1.000000000e+00, v4;
	v20 =	vmul.f32 v20, v0;
	v28 =	vld [tilespmem:s3+$0x410]  }
0x11a: {  	v29 =	vld [tilespmem:s3+$0x420]  }
0x11b: {  	v4 =	vadd.f32 v20, v4;
	v30 =	vld [tilespmem:s3+$0x430]  }
0x11c: {  	v20 =	vld.idx.msk [tilespmem:v25+s4+$0x0], $0xffff  }
0x11d: {  	v22 =	vmul.f32 v22, v4;
	v25 =	vld.idx.msk [tilespmem:v23+s4+$0x0], $0xffff  }
0x11e: {  	v31 =	vld.idx.msk [tilespmem:v19+s4+$0x0], $0xffff  }
0x11f: {  	v3 =	vadd.f32 v22, v3;
	v27 =	vld.idx.msk [tilespmem:v27+s4+$0x0], $0xffff  }
0x120: {  	v32 =	vld.idx.msk [tilespmem:v18+s4+$0x0], $0xffff  }
0x121: {  	v23 =	vld.idx.msk [tilespmem:v21+s4+$0x0], $0xffff  }
.Ltmp2:
0x122: {  	v18 =	vmul.f32 v20, v4;
	v22 =	vld.idx.msk [tilespmem:v26+s4+$0x0], $0xffff;
	(pc) =	sbr.rel @p0 .LBB2_6-.Ltmp2, $4  }
0x123: {  	v21 =	vmul.f32 v25, v4;
	v19 =	vld.idx.msk [tilespmem:v24+s4+$0x0], $0xffff  }
0x124: {  	v10 =	vadd.f32 v18, v10;
	v25 =	vmul.f32 v31, v4;
	v20 =	vld.idx.msk [tilespmem:v28+s4+$0x0], $0xffff  }
0x125: {  	s28 =	sadd.s32 $0x80, s28;
	s29 =	sadd.s32 $0x100, s29;
	v9 =	vadd.f32 v21, v9;
	v24 =	vmul.f32 v27, v4;
	v18 =	vld.idx.msk [tilespmem:v29+s4+$0x0], $0xffff  }
0x126: {  	s30 =	sadd.s32 $0x1, s30;
	s0 =	sand.u32 $0x380, s28;
	s31 =	sand.u32 $0x3800, s29;
	v8 =	vadd.f32 v25, v8;
	v25 =	vmul.f32 v32, v4;
	v21 =	vld.idx.msk [tilespmem:v30+s4+$0x0], $0xffff  }
0x127: {  	_ =	sdelay $0x3  }
0x128: {  	s0 =	sor.u32 s0, s31;
	v17 =	vld.idx.msk [tilespmem:v17+s4+$0x0], $0xffff  }
0x129: {  	s3 =	sadd.s32 $0x18700, s0;
	v26 =	vld [tilespmem:s0+$0x18700]  }
0x12a: {  	v27 =	vld [tilespmem:s3+$0x438]  }
0x12b: {  	v28 =	vld [tilespmem:s3+$0x10]  }
0x12c: {  	v29 =	vld [tilespmem:s3+$0x20]  }
0x12d: {  	v30 =	vld [tilespmem:s3+$0x30]  }
0x12e: {  	v31 =	vld [tilespmem:s3+$0x40]  }
0x12f: {  	v32 =	vld [tilespmem:s3+$0x50]  }
0x130: {  	s26 =	scvt.s32.f32 s26;
	v33 =	vld [tilespmem:s3+$0x60]  }
0x131: {  	v34 =	vld [tilespmem:s3+$0x70]  }
0x132: {  	v35 =	vmov s26;
	v36 =	vld [tilespmem:s3+$0x400]  }
0x133: {  	v37 =	vld [tilespmem:s3+$0x410];
	v35 =	vmul.f32 $1.999999960e-02, v35  }
0x134: {  	v38 =	vld [tilespmem:s3+$0x420]  }
0x135: {  	v40 =	vld [tilespmem:s3+$0x430];
	v39 =	vadd.f32 v35, v35  }
0x136: {  	v26 =	vld.idx.msk [tilespmem:v26+s4+$0x0], $0xffff  }
0x137: {  	v39 =	vbroadcast v39, $0x0;
	v27 =	vld.idx.msk [tilespmem:v27+s4+$0x0], $0xffff  }
0x138: {  	v28 =	vld.idx.msk [tilespmem:v28+s4+$0x0], $0xffff  }
0x139: {  	v35 =	vbroadcast v35, $0x0;
	v39 =	vadd.f32 $-1.000000000e+00, v39;
	v29 =	vld.idx.msk [tilespmem:v29+s4+$0x0], $0xffff  }
0x13a: {  	v30 =	vld.idx.msk [tilespmem:v30+s4+$0x0], $0xffff  }
0x13b: {  	v35 =	vsub.f32 $1.000000000e+00, v35;
	v31 =	vld.idx.msk [tilespmem:v31+s4+$0x0], $0xffff;
	v39 =	vmul.f32 v39, v0  }
0x13c: {  	v32 =	vld.idx.msk [tilespmem:v32+s4+$0x0], $0xffff  }
0x13d: {  	v17 =	vmul.f32 v17, v4;
	v33 =	vld.idx.msk [tilespmem:v33+s4+$0x0], $0xffff;
	v35 =	vadd.f32 v39, v35  }
0x13e: {  	v12 =	vadd.f32 v24, v12;
	v34 =	vld.idx.msk [tilespmem:v34+s4+$0x0], $0xffff  }
0x13f: {  	v16 =	vadd.f32 v17, v16;
	v17 =	vmul.f32 v23, v4;
	v24 =	vld.idx.msk [tilespmem:v36+s4+$0x0], $0xffff;
	v26 =	vmul.f32 v26, v35  }
0x140: {  	v22 =	vmul.f32 v22, v4;
	v15 =	vadd.f32 v25, v15;
	v23 =	vld.idx.msk [tilespmem:v37+s4+$0x0], $0xffff;
	v25 =	vmul.f32 v28, v35  }
0x141: {  	s0 =	simm.s32 $0x0;
	v13 =	vadd.f32 v17, v13;
	v63 =	vld.idx.msk [tilespmem:v38+s4+$0x0], $0xffff;
	v17 =	vmul.f32 v29, v35;
	v16 =	vadd.f32 v26, v16  }
0x142: {  	v14 =	vadd.f32 v22, v14;
	v22 =	vmul.f32 v30, v35;
	v26 =	vld.idx.msk [tilespmem:v40+s4+$0x0], $0xffff;
	v10 =	vadd.f32 v25, v10;
	[tilespmem:s0], [sflag:$0x1] =	stream.strided.gather [hbm4b:s10+s14], $0x18700, s15, s14, $0x38  }
0x143: {  	v9 =	vadd.f32 v17, v9;
	v17 =	vmul.f32 v31, v35;
	[tilespmem:$0x1C180] =	vst v16;
	v16 =	vmul.f32 v19, v4  }
0x144: {  	v8 =	vadd.f32 v22, v8;
	v19 =	vmul.f32 v20, v4;
	v20 =	vmul.f32 v32, v35;
	[tilespmem:$0x1C190] =	vst v10  }
0x145: {  	[tilespmem:$0x1C1A0] =	vst v9;
	v10 =	vadd.f32 v16, v11;
	v11 =	vadd.f32 v17, v12;
	v12 =	vmul.f32 v33, v35  }
0x146: {  	v9 =	vmul.f32 v18, v4;
	[tilespmem:$0x1C1B0] =	vst v8;
	v15 =	vadd.f32 v20, v15;
	v16 =	vmul.f32 v34, v35  }
0x147: {  	v4 =	vmul.f32 v21, v4;
	v8 =	vadd.f32 v12, v13;
	v12 =	vmul.f32 v24, v35;
	[tilespmem:$0x1C1C0] =	vst v11  }
0x148: {  	v7 =	vadd.f32 v19, v7;
	v11 =	vadd.f32 v16, v14;
	v13 =	vmul.f32 v23, v35;
	[tilespmem:$0x1C1D0] =	vst v15  }
0x149: {  	v6 =	vadd.f32 v9, v6;
	v9 =	vadd.f32 v12, v10;
	v10 =	vmul.f32 v63, v35;
	[tilespmem:$0x1C1E0] =	vst v8  }
0x14a: {  	v4 =	vadd.f32 v4, v5;
	v5 =	vadd.f32 v13, v7;
	v7 =	vmul.f32 v26, v35;
	[tilespmem:$0x1C1F0] =	vst v11  }
0x14b: {  	v8 =	vmul.f32 v27, v35;
	v6 =	vadd.f32 v10, v6;
	[tilespmem:$0x1C200] =	vst v9  }
0x14c: {  	v4 =	vadd.f32 v7, v4;
	[tilespmem:$0x1C210] =	vst v5  }
0x14d: {  	v3 =	vadd.f32 v8, v3;
	[tilespmem:$0x1C220] =	vst v6  }
0x14e: {  	[tilespmem:$0x1C230] =	vst v4  }
0x14f: {  	v4 =	vimm.f32 $0.0e+00;
	[tilespmem:$0x1C238] =	vst v3  }
0x150: {  	[tilespmem:$0x1C248] =	vst v4  }
0x151: {  	[hbm4b:s11+s14] =	stream.strided.scatter [tilespmem:s22], [sflag:$0x2], $0x100, s15, s14, $0x38;
	[tilespmem:$0x1C380] =	vst v63  }
0x152: {  	s3 =	sand.u32 $0x3800, s0;
	s26 =	sand.u32 $0x380, s0;
	_ =	swait.ge [sflag:s19], $0x18700  }
0x153: {  	s3 =	sor.u32 s26, s3;
	[sflag:s19] =	ssyncset.done $0x0  }
0x154: {  	s26 =	sadd.s32 $0x18700, s3;
	[sflag:s19] =	ssyncadd.s32 $0xFFFE7900  }
0x155: {  	v3 =	vld [tilespmem:s26+$0x438]  }
0x156: {  	v5 =	vld [tilespmem:s26+$0x10]  }
0x157: {  	v6 =	vld [tilespmem:s26+$0x20]  }
0x158: {  	v7 =	vld [tilespmem:s26+$0x30]  }
0x159: {  	v8 =	vld [tilespmem:s26+$0x40]  }
0x15a: {  	s0 =	scvt.s32.f32 s0;
	v10 =	vld [tilespmem:s26+$0x50]  }
0x15b: {  	v11 =	vld [tilespmem:s26+$0x60]  }
0x15c: {  	v9 =	vmov s0;
	v12 =	vld [tilespmem:s26+$0x70]  }
0x15d: {  	v9 =	vmul.f32 $1.999999960e-02, v9;
	v14 =	vld [tilespmem:s26+$0x400]  }
0x15e: {  	v15 =	vld [tilespmem:s26+$0x410]  }
0x15f: {  	v13 =	vadd.f32 v9, v9;
	v16 =	vld [tilespmem:s26+$0x420]  }
0x160: {  	v21 =	vld [tilespmem:s26+$0x430]  }
0x161: {  	v13 =	vbroadcast v13, $0x0;
	v3 =	vld.idx.msk [tilespmem:v3+s4+$0x0], $0xffff  }
0x162: {  	v18 =	vld.idx.msk [tilespmem:v5+s4+$0x0], $0xffff  }
0x163: {  	v9 =	vbroadcast v9, $0x0;
	v13 =	vadd.f32 $-1.000000000e+00, v13;
	v6 =	vld.idx.msk [tilespmem:v6+s4+$0x0], $0xffff  }
0x164: {  	v7 =	vld.idx.msk [tilespmem:v7+s4+$0x0], $0xffff  }
0x165: {  	v5 =	vsub.f32 $1.000000000e+00, v9;
	v9 =	vmul.f32 v13, v1;
	v8 =	vld.idx.msk [tilespmem:v8+s4+$0x0], $0xffff  }
0x166: {  	v13 =	vld.idx.msk [tilespmem:v10+s4+$0x0], $0xffff  }
0x167: {  	v17 =	vld [tilespmem:s3+$0x18700];
	v5 =	vadd.f32 v9, v5  }
0x168: {  	v23 =	vld.idx.msk [tilespmem:v11+s4+$0x0], $0xffff  }
0x169: {  	v20 =	vld.idx.msk [tilespmem:v15+s4+$0x0], $0xffff;
	v15 =	vimm.f32 $0.0e+00;
	v3 =	vmul.f32 v3, v5;
	v9 =	vmul.f32 v18, v5  }
0x16a: {  	v19 =	vld.idx.msk [tilespmem:v14+s4+$0x0], $0xffff;
	v14 =	vimm.f32 $0.0e+00;
	v6 =	vmul.f32 v6, v5;
	v7 =	vmul.f32 v7, v5  }
0x16b: {  	v22 =	vld.idx.msk [tilespmem:v12+s4+$0x0], $0xffff;
	v12 =	vimm.f32 $0.0e+00;
	v24 =	vmul.f32 v8, v5;
	v25 =	vmul.f32 v13, v5  }
0x16c: {  	v13 =	vimm.f32 $0.0e+00;
	v8 =	vimm.f32 $0.0e+00;
	v3 =	vadd.f32 v3, v4  }
0x16d: {  	s28 =	simm.s32 $0x80;
	s29 =	simm.s32 $0x100;
	s30 =	simm.s32 $0x2;
	v18 =	vld.idx.msk [tilespmem:v16+s4+$0x0], $0xffff;
	v16 =	vimm.f32 $0.0e+00;
	v11 =	vadd.f32 v9, v4;
	v10 =	vadd.f32 v6, v4  }
0x16e: {  	s31 =	sand.u32 $0x3800, s29;
	s0 =	sand.u32 $0x380, s28;
	s26 =	simm.s32 $0x1;
	v21 =	vld.idx.msk [tilespmem:v21+s4+$0x0], $0xffff;
	v9 =	vadd.f32 v7, v4;
	v7 =	vimm.f32 $0.0e+00;
	v6 =	vimm.f32 $0.0e+00  }
.LBB2_8:
0x16f: {  	p0 =	sne.s32 s30, $0x31;
	s0 =	sor.u32 s0, s31;
	v26 =	vld.idx.msk [tilespmem:v17+s4+$0x0], $0xffff;
	v4 =	vadd.f32 v24, v4;
	v23 =	vmul.f32 v23, v5  }
0x170: {  	s3 =	scvt.s32.f32 s26;
	v22 =	vmul.f32 v22, v5;
	s26 =	smov.u32 s30;
	s31 =	sadd.s32 $0x18700, s0;
	v17 =	vld [tilespmem:s0+$0x18700];
	v15 =	vadd.f32 v25, v15  }
0x171: {  	v19 =	vmul.f32 v19, v5;
	v24 =	vld [tilespmem:s31+$0x438];
	v13 =	vadd.f32 v23, v13  }
0x172: {  	v23 =	vmov s3;
	v14 =	vadd.f32 v22, v14;
	v20 =	vmul.f32 v20, v5;
	v25 =	vld [tilespmem:s31+$0x10]  }
0x173: {  	v22 =	vmul.f32 $1.999999960e-02, v23;
	v12 =	vadd.f32 v19, v12;
	v18 =	vmul.f32 v18, v5;
	v23 =	vld [tilespmem:s31+$0x20]  }
0x174: {  	v8 =	vadd.f32 v20, v8;
	v20 =	vmul.f32 v21, v5;
	v19 =	vld [tilespmem:s31+$0x30]  }
0x175: {  	v21 =	vadd.f32 v22, v22;
	v5 =	vmul.f32 v26, v5;
	v7 =	vadd.f32 v18, v7;
	v27 =	vld [tilespmem:s31+$0x40]  }
0x176: {  	v6 =	vadd.f32 v20, v6;
	v18 =	vld [tilespmem:s31+$0x50]  }
0x177: {  	v20 =	vbroadcast v21, $0x0;
	v16 =	vadd.f32 v5, v16;
	v21 =	vld [tilespmem:s31+$0x60]  }
0x178: {  	v26 =	vld [tilespmem:s31+$0x70]  }
0x179: {  	v5 =	vbroadcast v22, $0x0;
	v20 =	vadd.f32 $-1.000000000e+00, v20;
	v22 =	vld.idx.msk [tilespmem:v24+s4+$0x0], $0xffff  }
0x17a: {  	v24 =	vld [tilespmem:s31+$0x400]  }
0x17b: {  	v5 =	vsub.f32 $1.000000000e+00, v5;
	v20 =	vmul.f32 v20, v1;
	v28 =	vld [tilespmem:s31+$0x410]  }
0x17c: {  	v29 =	vld [tilespmem:s31+$0x420]  }
0x17d: {  	v5 =	vadd.f32 v20, v5;
	v30 =	vld [tilespmem:s31+$0x430]  }
0x17e: {  	v20 =	vld.idx.msk [tilespmem:v25+s4+$0x0], $0xffff  }
0x17f: {  	v22 =	vmul.f32 v22, v5;
	v25 =	vld.idx.msk [tilespmem:v23+s4+$0x0], $0xffff  }
0x180: {  	v31 =	vld.idx.msk [tilespmem:v19+s4+$0x0], $0xffff  }
0x181: {  	v3 =	vadd.f32 v22, v3;
	v27 =	vld.idx.msk [tilespmem:v27+s4+$0x0], $0xffff  }
0x182: {  	v32 =	vld.idx.msk [tilespmem:v18+s4+$0x0], $0xffff  }
0x183: {  	v23 =	vld.idx.msk [tilespmem:v21+s4+$0x0], $0xffff  }
.Ltmp3:
0x184: {  	v18 =	vmul.f32 v20, v5;
	v22 =	vld.idx.msk [tilespmem:v26+s4+$0x0], $0xffff;
	(pc) =	sbr.rel @p0 .LBB2_8-.Ltmp3, $4  }
0x185: {  	v21 =	vmul.f32 v25, v5;
	v19 =	vld.idx.msk [tilespmem:v24+s4+$0x0], $0xffff  }
0x186: {  	v11 =	vadd.f32 v18, v11;
	v25 =	vmul.f32 v31, v5;
	v20 =	vld.idx.msk [tilespmem:v28+s4+$0x0], $0xffff  }
0x187: {  	s28 =	sadd.s32 $0x80, s28;
	s29 =	sadd.s32 $0x100, s29;
	v10 =	vadd.f32 v21, v10;
	v24 =	vmul.f32 v27, v5;
	v18 =	vld.idx.msk [tilespmem:v29+s4+$0x0], $0xffff  }
0x188: {  	s30 =	sadd.s32 $0x1, s30;
	s0 =	sand.u32 $0x380, s28;
	s31 =	sand.u32 $0x3800, s29;
	v9 =	vadd.f32 v25, v9;
	v25 =	vmul.f32 v32, v5;
	v21 =	vld.idx.msk [tilespmem:v30+s4+$0x0], $0xffff  }
0x189: {  	_ =	sdelay $0x3  }
0x18a: {  	s0 =	sor.u32 s0, s31;
	v17 =	vld.idx.msk [tilespmem:v17+s4+$0x0], $0xffff  }
0x18b: {  	s3 =	sadd.s32 $0x18700, s0;
	v26 =	vld [tilespmem:s0+$0x18700]  }
0x18c: {  	v27 =	vld [tilespmem:s3+$0x438]  }
0x18d: {  	v28 =	vld [tilespmem:s3+$0x10]  }
0x18e: {  	v29 =	vld [tilespmem:s3+$0x20]  }
0x18f: {  	v30 =	vld [tilespmem:s3+$0x30]  }
0x190: {  	v31 =	vld [tilespmem:s3+$0x40]  }
0x191: {  	v32 =	vld [tilespmem:s3+$0x50]  }
0x192: {  	s31 =	scvt.s32.f32 s26;
	v33 =	vld [tilespmem:s3+$0x60]  }
0x193: {  	v34 =	vld [tilespmem:s3+$0x70]  }
0x194: {  	v35 =	vmov s31;
	v36 =	vld [tilespmem:s3+$0x400]  }
0x195: {  	v37 =	vld [tilespmem:s3+$0x410];
	v35 =	vmul.f32 $1.999999960e-02, v35  }
0x196: {  	v39 =	vld [tilespmem:s3+$0x420]  }
0x197: {  	v40 =	vld [tilespmem:s3+$0x430];
	v38 =	vadd.f32 v35, v35  }
0x198: {  	v26 =	vld.idx.msk [tilespmem:v26+s4+$0x0], $0xffff  }
0x199: {  	v38 =	vbroadcast v38, $0x0;
	v27 =	vld.idx.msk [tilespmem:v27+s4+$0x0], $0xffff  }
0x19a: {  	v28 =	vld.idx.msk [tilespmem:v28+s4+$0x0], $0xffff  }
0x19b: {  	v35 =	vbroadcast v35, $0x0;
	v38 =	vadd.f32 $-1.000000000e+00, v38;
	v29 =	vld.idx.msk [tilespmem:v29+s4+$0x0], $0xffff  }
0x19c: {  	v30 =	vld.idx.msk [tilespmem:v30+s4+$0x0], $0xffff  }
0x19d: {  	v35 =	vsub.f32 $1.000000000e+00, v35;
	v31 =	vld.idx.msk [tilespmem:v31+s4+$0x0], $0xffff;
	v38 =	vmul.f32 v38, v1  }
0x19e: {  	v32 =	vld.idx.msk [tilespmem:v32+s4+$0x0], $0xffff  }
0x19f: {  	v17 =	vmul.f32 v17, v5;
	v33 =	vld.idx.msk [tilespmem:v33+s4+$0x0], $0xffff;
	v35 =	vadd.f32 v38, v35  }
0x1a0: {  	v4 =	vadd.f32 v24, v4;
	v22 =	vmul.f32 v22, v5;
	v63 =	vld.idx.msk [tilespmem:v34+s4+$0x0], $0xffff  }
0x1a1: {  	v15 =	vadd.f32 v25, v15;
	v16 =	vadd.f32 v17, v16;
	v36 =	vld.idx.msk [tilespmem:v36+s4+$0x0], $0xffff;
	v26 =	vmul.f32 v26, v35  }
0x1a2: {  	v46 =	vmul.f32 v19, v5;
	v14 =	vadd.f32 v22, v14;
	v41 =	vld.idx.msk [tilespmem:v37+s4+$0x0], $0xffff;
	v38 =	vmul.f32 v28, v35  }
0x1a3: {  	v48 =	vmul.f32 v20, v5;
	v43 =	vld.idx.msk [tilespmem:v39+s4+$0x0], $0xffff;
	v42 =	vmul.f32 v29, v35;
	v16 =	vadd.f32 v26, v16  }
0x1a4: {  	v45 =	vld.idx.msk [tilespmem:v40+s4+$0x0], $0xffff;
	[tilespmem:$0x1C348] =	vst v2;
	v44 =	vmul.f32 v30, v35;
	v11 =	vadd.f32 v38, v11  }
0x1a5: {  	v34 =	vmul.f32 v23, v5;
	v47 =	vmul.f32 v31, v35;
	v10 =	vadd.f32 v42, v10;
	[tilespmem:$0x1C280] =	vst v16  }
0x1a6: {  	v50 =	vadd.f32 v46, v12;
	v49 =	vmul.f32 v32, v35;
	v9 =	vadd.f32 v44, v9;
	[tilespmem:$0x1C290] =	vst v11  }
0x1a7: {  	v13 =	vadd.f32 v34, v13;
	v51 =	vmul.f32 v33, v35;
	v4 =	vadd.f32 v47, v4;
	[tilespmem:$0x1C2A0] =	vst v10  }
0x1a8: {  	v52 =	vmul.f32 v18, v5;
	v53 =	vmul.f32 v63, v35;
	v15 =	vadd.f32 v49, v15;
	[tilespmem:$0x1C2B0] =	vst v9  }
0x1a9: {  	v8 =	vadd.f32 v48, v8;
	v55 =	vmul.f32 v36, v35;
	v54 =	vadd.f32 v51, v13;
	[tilespmem:$0x1C2C0] =	vst v4  }
0x1aa: {  	v56 =	vmul.f32 v21, v5;
	v58 =	vmul.f32 v41, v35;
	v57 =	vadd.f32 v53, v14;
	[tilespmem:$0x1C2D0] =	vst v15  }
0x1ab: {  	v7 =	vadd.f32 v52, v7;
	v60 =	vmul.f32 v43, v35;
	v59 =	vadd.f32 v55, v50;
	[tilespmem:$0x1C2E0] =	vst v54  }
0x1ac: {  	v62 =	vmul.f32 v45, v35;
	v61 =	vadd.f32 v58, v8;
	v4 =	vadd.f32 v56, v6;
	[tilespmem:$0x1C2F0] =	vst v57  }
0x1ad: {  	v63 =	vmul.f32 v27, v35;
	v7 =	vadd.f32 v60, v7;
	[tilespmem:$0x1C300] =	vst v59  }
0x1ae: {  	[tilespmem:$0x1C310] =	vst v61;
	v4 =	vadd.f32 v62, v4  }
0x1af: {  	v3 =	vadd.f32 v63, v3;
	[tilespmem:$0x1C320] =	vst v7  }
0x1b0: {  	[tilespmem:$0x1C330] =	vst v4  }
0x1b1: {  	[tilespmem:$0x1C338] =	vst v3  }
0x1b2: {  	[hbm4b:s12+s14] =	stream.strided.scatter [tilespmem:s23], [sflag:$0x2], $0x100, s15, s14, $0x38;
	[tilespmem:$0x1C380] =	vst v63  }
0x1b3: {  	_ =	swait.ge [sflag:s24], $0x100  }
0x1b4: {  	[sflag:s24] =	ssyncset.done $0x0  }
0x1b5: {  	[sflag:s24] =	ssyncadd.s32 $0xFFFFFF00  }
0x1b6: {  	_ =	swait.ge [sflag:s24], $0x100  }
0x1b7: {  	[sflag:s24] =	ssyncset.done $0x0  }
0x1b8: {  	s25 =	sadd.s32 $0x1, s25;
	[sflag:s24] =	ssyncadd.s32 $0xFFFFFF00  }
0x1b9: {  	p0 =	sne.s32 s25, s13;
	_ =	swait.ge [sflag:s24], $0x100  }
.Ltmp4:
0x1ba: {  	[sflag:s24] =	ssyncset.done $0x0;
	(pc) =	sbr.rel @p0 .LBB2_1-.Ltmp4, $4  }
0x1bb: {  	[sflag:s24] =	ssyncadd.s32 $0xFFFFFF00  }
0x1bc: {  	_ =	swait.ge [sflag:s24], $0x100  }
0x1bd: {  	[sflag:s24] =	ssyncset.done $0x0  }
0x1be: {  	[sflag:s24] =	ssyncadd.s32 $0xFFFFFF00  }
0x1bf: {  	_ =	sfence.sel $0x180000  }
0x1c0: {  	[bflag:$0x0] =	sbarrier.arrive $0xFFFF  }
0x1c1: {  	_ =	strace $0x90000047  }
0x1c2: {  	s0 =	stileid.u32;
	[bflag:$0x2] =	sbarrier.arrive $0xFFFF  }
0x1c3: {  	p0 =	sne.s32 s0, $0x0;
	s0 =	rddreg [dreg:$0x6]  }
0x1c4: {  	s0 =	sadd.s32 @!p0 $0x100000, s0  }
0x1c5: {  	[sflag:s0] =	ssyncadd.tile.s32 @!p0 $0x1;
	_ =	shalt  }
.Lfunc_end2:
_tile_overlayer_lowered:
.L_overlay_start_2:
0x1c6: {  	(tag) =	ssettag $0x2  }
0x1c7: {  	s0 =	rddreg [dreg:$0x0];
	s2 =	stileid.u32  }
0x1c8: {  	s1 =	rddreg [dreg:$0x1];
	p0 =	sne.s32 s2, $0x0  }
0x1c9: {  	s3 =	rddreg [dreg:$0x2];
	[bflag:$0x3] =	sbarrier.arrive $0xFFFF;
	s2 =	simm.s32 @!p0 $0x1C03  }
0x1ca: {  	[timem:s3], [sflag:s2] =	dma.local @!p0 [hbm:s0], s1  }
0x1cb: {  	s0 =	simm.s32 @!p0 $0x3  }
0x1cc: {  	_ =	swait.ge @!p0 [sflag:s0], s1  }
0x1cd: {  	s1 =	ssub.s32 @!p0 $0x0, s1;
	[sflag:s0] =	ssyncset.done @!p0 $0x0  }
0x1ce: {  	[sflag:s0] =	ssyncadd.s32 @!p0 s1  }
0x1cf: {  	[bflag:$0x3] =	sbarrier.arrive $0xFFFF  }
0x1d0: {  	_ =	shalt  }

</sc_bundles>
